<compile_context>
chip_gen: v7x
topology: tpu7x:2x2x1
jax: 0.10.2.dev20260603
libtpu: 0.0.44.dev20260713+nightly
codegen_flags: <defaults>
</compile_context>

<pallas_src>
import jax
import jax.numpy as jnp
from jax import lax
from jax.experimental import pallas as pl
from jax.experimental.pallas import tpu as pltpu
from jax.experimental.pallas import tpu_sc as plsc

_NC, _NS = 2, 16
_NW = _NC * _NS
_D = 128
_B = 4096 * 200
_ROWS = _B // _D
_RPW = _ROWS // _NW

_NB = 4
_AHEAD = 4


def _body(x_hbm, emb_hbm, out_hbm, idx_v, spm_all,
          b0, b1, b2, b3,
          g0, g1, g2, g3,
          a0, a1, w0, w1):
    bufs = (b0, b1, b2, b3)
    gs = (g0, g1, g2, g3)
    asem = (a0, a1)
    bsem = (w0, w1)
    wid = lax.axis_index("s") * _NC + lax.axis_index("c")
    spm = spm_all.at[lax.axis_index("s")]
    r0 = wid * _RPW
    pltpu.sync_copy(x_hbm.at[pl.ds(r0, _RPW)], idx_v)

    def wait_gather(t, b):
        pltpu.make_async_copy(emb_hbm.at[idx_v.at[t]], bufs[b], gs[b]).wait()

    def step(t, b, q, first):
        wait_gather(t, b)
        if not first:
            pltpu.make_async_copy(spm.at[q], out_hbm.at[pl.ds(r0 * _D, _D)],
                                  bsem[q]).wait()
        pltpu.async_copy(bufs[b], spm.at[q], asem[q]).wait()
        pltpu.async_copy(spm.at[q], out_hbm.at[pl.ds((r0 + t) * _D, _D)],
                         bsem[q])

    for t in range(_AHEAD):
        pltpu.async_copy(emb_hbm.at[idx_v.at[t]], bufs[t % _NB], gs[t % _NB])
    for t in range(_NB):
        step(t, t % _NB, t % 2, first=(t < 2))
        bn = (t + _AHEAD) % _NB
        pltpu.async_copy(emb_hbm.at[idx_v.at[t + _AHEAD]], bufs[bn], gs[bn])

    def outer(i, carry):
        for k in range(_NB):
            t = _NB + i * _NB + k
            step(t, k, k % 2, first=False)
            bn = (k + _AHEAD) % _NB
            tn = jnp.minimum(t + _AHEAD, _RPW - 1)
            pltpu.async_copy(emb_hbm.at[idx_v.at[tn]], bufs[bn], gs[bn])
        return carry

    lax.fori_loop(0, (_RPW - _NB) // _NB, outer, 0)

    for t in range(_RPW, _RPW + _AHEAD):
        wait_gather(0, t % _NB)
    for q in range(2):
        pltpu.make_async_copy(spm.at[q], out_hbm.at[pl.ds(r0 * _D, _D)],
                              bsem[q]).wait()


def kernel(x, emb):
    xf = x.reshape(_ROWS, _D)
    mesh = plsc.VectorSubcoreMesh(core_axis_name="c", subcore_axis_name="s")
    out = pl.kernel(
        _body,
        out_type=jax.ShapeDtypeStruct((_B, _D), jnp.float32),
        mesh=mesh,
        scratch_types=[
            pltpu.VMEM((_RPW, _D), jnp.int32),
            pltpu.VMEM_SHARED((_NS, 2, _D, _D), jnp.float32),
        ] + [pltpu.VMEM((_D, _D), jnp.float32)] * _NB
          + [pltpu.SemaphoreType.DMA] * (_NB + 4),
    )(xf, emb)
    return out.reshape(x.shape[0], x.shape[1], _D)

# --- scband reference (transcript-rebuilt; emitter-appended) ---
"""Pipeline reference for scband-embed-59605556134003 (READ-ONLY COPY).

The authoritative reference and input builder live on the scoring server;
editing this copy changes nothing except your own understanding.
"""

import jax, jax.numpy as jnp
import numpy as np

DIM_VOCAB = 100000
DIM_HIDDEN = 128

def setup_inputs(seed: int = 0) -> dict:
    key = jax.random.key(seed)
    k1, k2 = jax.random.split(key)
    x = jax.random.randint(k1, (4096, 200), 0, DIM_VOCAB, dtype=jnp.int64 if jax.config.jax_enable_x64 else jnp.int32)
    emb = jax.random.normal(k2, (DIM_VOCAB, DIM_HIDDEN), dtype=jnp.float32) * 0.02
    return {"x": x, "emb": emb}

def reference(x, emb):
    # tf.nn.embedding_lookup(self.emb, x) -> gather rows of emb by x
    y = jnp.take(emb, x, axis=0)
    return y

if __name__ == "__main__":
    import jax
    _d = setup_inputs()
    print(jax.jit(kernel)(*tuple(_d.values())))

</pallas_src>

<mosaic_0001>
#map = affine_map<(d0, d1) -> (0, 0)>
module attributes {stable_mosaic.version = 14 : i64} {
  func.func @_body(%arg0: i32, %arg1: i32, %arg2: memref<6400x128xi32, #tpu.memory_space<hbm>>, %arg3: memref<100000x128xf32, #tpu.memory_space<hbm>>, %arg4: memref<819200x128xf32, #tpu.memory_space<hbm>>, %arg5: memref<200x128xi32, #tpu.memory_space<vmem>>, %arg6: memref<16x2x128x128xf32, #tpu.memory_space<vmem_shared>>, %arg7: memref<128x128xf32, #tpu.memory_space<vmem>>, %arg8: memref<128x128xf32, #tpu.memory_space<vmem>>, %arg9: memref<128x128xf32, #tpu.memory_space<vmem>>, %arg10: memref<128x128xf32, #tpu.memory_space<vmem>>, %arg11: memref<!tpu.dma_semaphore, #tpu.memory_space<semaphore_mem>>, %arg12: memref<!tpu.dma_semaphore, #tpu.memory_space<semaphore_mem>>, %arg13: memref<!tpu.dma_semaphore, #tpu.memory_space<semaphore_mem>>, %arg14: memref<!tpu.dma_semaphore, #tpu.memory_space<semaphore_mem>>, %arg15: memref<!tpu.dma_semaphore, #tpu.memory_space<semaphore_mem>>, %arg16: memref<!tpu.dma_semaphore, #tpu.memory_space<semaphore_mem>>, %arg17: memref<!tpu.dma_semaphore, #tpu.memory_space<semaphore_mem>>, %arg18: memref<!tpu.dma_semaphore, #tpu.memory_space<semaphore_mem>>) attributes {dimension_semantics = [#tpu.dimension_semantics<core_parallel>, #tpu.dimension_semantics<subcore_parallel>], iteration_bounds = array<i64: 2, 16>, scalar_prefetch = 0 : i64, scratch_operands = 14 : i64, tpu.core_type = #tpu.core_type<sc_vector_subcore>, window_params = [{transform_indices = #map}, {transform_indices = #map}, {transform_indices = #map}]} {
    %mul3A = arith.constant 2 : i32
    %mul3A_0 = arith.muli %arg1, %mul3A : i32
    %add3A = arith.addi %mul3A_0, %arg0 : i32
    %mul3A_1 = arith.constant 200 : i32
    %mul3A_2 = arith.muli %add3A, %mul3A_1 : i32
    "tpu.region"() ({
      %run_scoped3A = tpu.sem_alloc : memref<!tpu.dma_semaphore, #tpu.memory_space<semaphore_mem>>
      %dma_start3A_390 = arith.constant 0 : i32
      %dma_start3A_391 = tpu.memref_slice %arg2[%mul3A_2, %dma_start3A_390] : memref<6400x128xi32, #tpu.memory_space<hbm>> -> memref<200x128xi32, #tpu.memory_space<hbm>>
      %dma_start3A_392 = arith.constant 0 : i32
      %dma_start3A_393 = tpu.memref_slice %arg2[%mul3A_2, %dma_start3A_392] : memref<6400x128xi32, #tpu.memory_space<hbm>> -> memref<200x128xi32, #tpu.memory_space<hbm>>
      tpu.enqueue_dma source(%dma_start3A_393 : memref<200x128xi32, #tpu.memory_space<hbm>>) target(%arg5 : memref<200x128xi32, #tpu.memory_space<vmem>>) target_semaphore(%run_scoped3A : memref<!tpu.dma_semaphore, #tpu.memory_space<semaphore_mem>>)
      %dma_wait3A_394 = arith.constant 0 : i32
      %dma_wait3A_395 = tpu.memref_slice %arg2[%mul3A_2, %dma_wait3A_394] : memref<6400x128xi32, #tpu.memory_space<hbm>> -> memref<200x128xi32, #tpu.memory_space<hbm>>
      %dma_wait3A_396 = arith.constant 0 : i32
      %dma_wait3A_397 = tpu.memref_slice %arg2[%mul3A_2, %dma_wait3A_396] : memref<6400x128xi32, #tpu.memory_space<hbm>> -> memref<200x128xi32, #tpu.memory_space<hbm>>
      tpu.wait_dma2 semaphore(%run_scoped3A : memref<!tpu.dma_semaphore, #tpu.memory_space<semaphore_mem>>) src(%dma_wait3A_397 : memref<200x128xi32, #tpu.memory_space<hbm>>) dst(%arg5 : memref<200x128xi32, #tpu.memory_space<vmem>>)
      tpu.yield
    }) : () -> ()
    %dma_start3A = arith.constant 0 : i32
    %dma_start3A_3 = arith.constant 0 : i32
    %dma_start3A_4 = tpu.memref_slice %arg5[%dma_start3A, %dma_start3A_3] : memref<200x128xi32, #tpu.memory_space<vmem>> -> memref<1x128xi32, #tpu.memory_space<vmem>>
    %dma_start3A_5 = tpu.memref_squeeze %dma_start3A_4 : memref<1x128xi32, #tpu.memory_space<vmem>> -> memref<128xi32, #tpu.memory_space<vmem>>
    %dma_start3A_6 = arith.constant 0 : i32
    %dma_start3A_7 = arith.constant 0 : i32
    %dma_start3A_8 = tpu.memref_slice %arg3[%dma_start3A_6, %dma_start3A_7] : memref<100000x128xf32, #tpu.memory_space<hbm>> -> memref<100000x128xf32, #tpu.memory_space<hbm>>
    tpu.enqueue_indirect_dma source(%dma_start3A_8 : memref<100000x128xf32, #tpu.memory_space<hbm>>) target(%arg7 : memref<128x128xf32, #tpu.memory_space<vmem>>) offsets(%dma_start3A_5 : memref<128xi32, #tpu.memory_space<vmem>>) semaphore(%arg11 : memref<!tpu.dma_semaphore, #tpu.memory_space<semaphore_mem>>)
    %dma_start3A_9 = arith.constant 1 : i32
    %dma_start3A_10 = arith.constant 0 : i32
    %dma_start3A_11 = tpu.memref_slice %arg5[%dma_start3A_9, %dma_start3A_10] : memref<200x128xi32, #tpu.memory_space<vmem>> -> memref<1x128xi32, #tpu.memory_space<vmem>>
    %dma_start3A_12 = tpu.memref_squeeze %dma_start3A_11 : memref<1x128xi32, #tpu.memory_space<vmem>> -> memref<128xi32, #tpu.memory_space<vmem>>
    %dma_start3A_13 = arith.constant 0 : i32
    %dma_start3A_14 = arith.constant 0 : i32
    %dma_start3A_15 = tpu.memref_slice %arg3[%dma_start3A_13, %dma_start3A_14] : memref<100000x128xf32, #tpu.memory_space<hbm>> -> memref<100000x128xf32, #tpu.memory_space<hbm>>
    tpu.enqueue_indirect_dma source(%dma_start3A_15 : memref<100000x128xf32, #tpu.memory_space<hbm>>) target(%arg8 : memref<128x128xf32, #tpu.memory_space<vmem>>) offsets(%dma_start3A_12 : memref<128xi32, #tpu.memory_space<vmem>>) semaphore(%arg12 : memref<!tpu.dma_semaphore, #tpu.memory_space<semaphore_mem>>)
    %dma_start3A_16 = arith.constant 2 : i32
    %dma_start3A_17 = arith.constant 0 : i32
    %dma_start3A_18 = tpu.memref_slice %arg5[%dma_start3A_16, %dma_start3A_17] : memref<200x128xi32, #tpu.memory_space<vmem>> -> memref<1x128xi32, #tpu.memory_space<vmem>>
    %dma_start3A_19 = tpu.memref_squeeze %dma_start3A_18 : memref<1x128xi32, #tpu.memory_space<vmem>> -> memref<128xi32, #tpu.memory_space<vmem>>
    %dma_start3A_20 = arith.constant 0 : i32
    %dma_start3A_21 = arith.constant 0 : i32
    %dma_start3A_22 = tpu.memref_slice %arg3[%dma_start3A_20, %dma_start3A_21] : memref<100000x128xf32, #tpu.memory_space<hbm>> -> memref<100000x128xf32, #tpu.memory_space<hbm>>
    tpu.enqueue_indirect_dma source(%dma_start3A_22 : memref<100000x128xf32, #tpu.memory_space<hbm>>) target(%arg9 : memref<128x128xf32, #tpu.memory_space<vmem>>) offsets(%dma_start3A_19 : memref<128xi32, #tpu.memory_space<vmem>>) semaphore(%arg13 : memref<!tpu.dma_semaphore, #tpu.memory_space<semaphore_mem>>)
    %dma_start3A_23 = arith.constant 3 : i32
    %dma_start3A_24 = arith.constant 0 : i32
    %dma_start3A_25 = tpu.memref_slice %arg5[%dma_start3A_23, %dma_start3A_24] : memref<200x128xi32, #tpu.memory_space<vmem>> -> memref<1x128xi32, #tpu.memory_space<vmem>>
    %dma_start3A_26 = tpu.memref_squeeze %dma_start3A_25 : memref<1x128xi32, #tpu.memory_space<vmem>> -> memref<128xi32, #tpu.memory_space<vmem>>
    %dma_start3A_27 = arith.constant 0 : i32
    %dma_start3A_28 = arith.constant 0 : i32
    %dma_start3A_29 = tpu.memref_slice %arg3[%dma_start3A_27, %dma_start3A_28] : memref<100000x128xf32, #tpu.memory_space<hbm>> -> memref<100000x128xf32, #tpu.memory_space<hbm>>
    tpu.enqueue_indirect_dma source(%dma_start3A_29 : memref<100000x128xf32, #tpu.memory_space<hbm>>) target(%arg10 : memref<128x128xf32, #tpu.memory_space<vmem>>) offsets(%dma_start3A_26 : memref<128xi32, #tpu.memory_space<vmem>>) semaphore(%arg14 : memref<!tpu.dma_semaphore, #tpu.memory_space<semaphore_mem>>)
    %dma_wait3A = arith.constant 0 : i32
    %dma_wait3A_30 = arith.constant 0 : i32
    %dma_wait3A_31 = tpu.memref_slice %arg5[%dma_wait3A, %dma_wait3A_30] : memref<200x128xi32, #tpu.memory_space<vmem>> -> memref<1x128xi32, #tpu.memory_space<vmem>>
    %dma_wait3A_32 = tpu.memref_squeeze %dma_wait3A_31 : memref<1x128xi32, #tpu.memory_space<vmem>> -> memref<128xi32, #tpu.memory_space<vmem>>
    %dma_wait3A_33 = arith.constant 0 : i32
    %dma_wait3A_34 = arith.constant 0 : i32
    %dma_wait3A_35 = tpu.memref_slice %arg3[%dma_wait3A_33, %dma_wait3A_34] : memref<100000x128xf32, #tpu.memory_space<hbm>> -> memref<100000x128xf32, #tpu.memory_space<hbm>>
    tpu.wait_indirect_dma semaphore(%arg11 : memref<!tpu.dma_semaphore, #tpu.memory_space<semaphore_mem>>) src(%dma_wait3A_35 : memref<100000x128xf32, #tpu.memory_space<hbm>>) dst(%arg7 : memref<128x128xf32, #tpu.memory_space<vmem>>)
    %dma_start3A_36 = arith.constant 0 : i32
    %dma_start3A_37 = arith.constant 0 : i32
    %dma_start3A_38 = arith.constant 0 : i32
    %dma_start3A_39 = arith.constant 0 : i32
    %dma_start3A_40 = tpu.memref_slice %arg6[%arg1, %dma_start3A_37, %dma_start3A_38, %dma_start3A_39] : memref<16x2x128x128xf32, #tpu.memory_space<vmem_shared>> -> memref<1x2x128x128xf32, #tpu.memory_space<vmem_shared>>
    %dma_start3A_41 = tpu.memref_squeeze %dma_start3A_40 : memref<1x2x128x128xf32, #tpu.memory_space<vmem_shared>> -> memref<2x128x128xf32, #tpu.memory_space<vmem_shared>>
    %dma_start3A_42 = arith.constant 0 : i32
    %dma_start3A_43 = arith.constant 0 : i32
    %dma_start3A_44 = tpu.memref_slice %dma_start3A_41[%dma_start3A_36, %dma_start3A_42, %dma_start3A_43] : memref<2x128x128xf32, #tpu.memory_space<vmem_shared>> -> memref<1x128x128xf32, #tpu.memory_space<vmem_shared>>
    %dma_start3A_45 = tpu.memref_squeeze %dma_start3A_44 : memref<1x128x128xf32, #tpu.memory_space<vmem_shared>> -> memref<128x128xf32, #tpu.memory_space<vmem_shared>>
    %dma_start3A_46 = arith.constant 0 : i32
    %dma_start3A_47 = arith.constant 0 : i32
    %dma_start3A_48 = arith.constant 0 : i32
    %dma_start3A_49 = tpu.memref_slice %arg6[%arg1, %dma_start3A_46, %dma_start3A_47, %dma_start3A_48] : memref<16x2x128x128xf32, #tpu.memory_space<vmem_shared>> -> memref<1x2x128x128xf32, #tpu.memory_space<vmem_shared>>
    %dma_start3A_50 = tpu.memref_squeeze %dma_start3A_49 : memref<1x2x128x128xf32, #tpu.memory_space<vmem_shared>> -> memref<2x128x128xf32, #tpu.memory_space<vmem_shared>>
    %dma_start3A_51 = arith.constant 0 : i32
    %dma_start3A_52 = arith.constant 0 : i32
    %dma_start3A_53 = tpu.memref_slice %dma_start3A_50[%dma_start3A_36, %dma_start3A_51, %dma_start3A_52] : memref<2x128x128xf32, #tpu.memory_space<vmem_shared>> -> memref<1x128x128xf32, #tpu.memory_space<vmem_shared>>
    %dma_start3A_54 = tpu.memref_squeeze %dma_start3A_53 : memref<1x128x128xf32, #tpu.memory_space<vmem_shared>> -> memref<128x128xf32, #tpu.memory_space<vmem_shared>>
    tpu.enqueue_dma source(%arg7 : memref<128x128xf32, #tpu.memory_space<vmem>>) target(%dma_start3A_54 : memref<128x128xf32, #tpu.memory_space<vmem_shared>>) target_semaphore(%arg15 : memref<!tpu.dma_semaphore, #tpu.memory_space<semaphore_mem>>)
    %dma_wait3A_55 = arith.constant 0 : i32
    %dma_wait3A_56 = arith.constant 0 : i32
    %dma_wait3A_57 = arith.constant 0 : i32
    %dma_wait3A_58 = arith.constant 0 : i32
    %dma_wait3A_59 = tpu.memref_slice %arg6[%arg1, %dma_wait3A_56, %dma_wait3A_57, %dma_wait3A_58] : memref<16x2x128x128xf32, #tpu.memory_space<vmem_shared>> -> memref<1x2x128x128xf32, #tpu.memory_space<vmem_shared>>
    %dma_wait3A_60 = tpu.memref_squeeze %dma_wait3A_59 : memref<1x2x128x128xf32, #tpu.memory_space<vmem_shared>> -> memref<2x128x128xf32, #tpu.memory_space<vmem_shared>>
    %dma_wait3A_61 = arith.constant 0 : i32
    %dma_wait3A_62 = arith.constant 0 : i32
    %dma_wait3A_63 = tpu.memref_slice %dma_wait3A_60[%dma_wait3A_55, %dma_wait3A_61, %dma_wait3A_62] : memref<2x128x128xf32, #tpu.memory_space<vmem_shared>> -> memref<1x128x128xf32, #tpu.memory_space<vmem_shared>>
    %dma_wait3A_64 = tpu.memref_squeeze %dma_wait3A_63 : memref<1x128x128xf32, #tpu.memory_space<vmem_shared>> -> memref<128x128xf32, #tpu.memory_space<vmem_shared>>
    %dma_wait3A_65 = arith.constant 0 : i32
    %dma_wait3A_66 = arith.constant 0 : i32
    %dma_wait3A_67 = arith.constant 0 : i32
    %dma_wait3A_68 = tpu.memref_slice %arg6[%arg1, %dma_wait3A_65, %dma_wait3A_66, %dma_wait3A_67] : memref<16x2x128x128xf32, #tpu.memory_space<vmem_shared>> -> memref<1x2x128x128xf32, #tpu.memory_space<vmem_shared>>
    %dma_wait3A_69 = tpu.memref_squeeze %dma_wait3A_68 : memref<1x2x128x128xf32, #tpu.memory_space<vmem_shared>> -> memref<2x128x128xf32, #tpu.memory_space<vmem_shared>>
    %dma_wait3A_70 = arith.constant 0 : i32
    %dma_wait3A_71 = arith.constant 0 : i32
    %dma_wait3A_72 = tpu.memref_slice %dma_wait3A_69[%dma_wait3A_55, %dma_wait3A_70, %dma_wait3A_71] : memref<2x128x128xf32, #tpu.memory_space<vmem_shared>> -> memref<1x128x128xf32, #tpu.memory_space<vmem_shared>>
    %dma_wait3A_73 = tpu.memref_squeeze %dma_wait3A_72 : memref<1x128x128xf32, #tpu.memory_space<vmem_shared>> -> memref<128x128xf32, #tpu.memory_space<vmem_shared>>
    tpu.wait_dma2 semaphore(%arg15 : memref<!tpu.dma_semaphore, #tpu.memory_space<semaphore_mem>>) src(%arg7 : memref<128x128xf32, #tpu.memory_space<vmem>>) dst(%dma_wait3A_73 : memref<128x128xf32, #tpu.memory_space<vmem_shared>>)
    %add3A_74 = arith.constant 0 : i32
    %add3A_75 = arith.addi %mul3A_2, %add3A_74 : i32
    %mul3A_76 = arith.constant 128 : i32
    %mul3A_77 = arith.muli %add3A_75, %mul3A_76 : i32
    %dma_start3A_78 = arith.constant 0 : i32
    %dma_start3A_79 = arith.constant 0 : i32
    %dma_start3A_80 = tpu.memref_slice %arg4[%mul3A_77, %dma_start3A_79] : memref<819200x128xf32, #tpu.memory_space<hbm>> -> memref<128x128xf32, #tpu.memory_space<hbm>>
    %dma_start3A_81 = arith.constant 0 : i32
    %dma_start3A_82 = arith.constant 0 : i32
    %dma_start3A_83 = arith.constant 0 : i32
    %dma_start3A_84 = tpu.memref_slice %arg6[%arg1, %dma_start3A_81, %dma_start3A_82, %dma_start3A_83] : memref<16x2x128x128xf32, #tpu.memory_space<vmem_shared>> -> memref<1x2x128x128xf32, #tpu.memory_space<vmem_shared>>
    %dma_start3A_85 = tpu.memref_squeeze %dma_start3A_84 : memref<1x2x128x128xf32, #tpu.memory_space<vmem_shared>> -> memref<2x128x128xf32, #tpu.memory_space<vmem_shared>>
    %dma_start3A_86 = arith.constant 0 : i32
    %dma_start3A_87 = arith.constant 0 : i32
    %dma_start3A_88 = tpu.memref_slice %dma_start3A_85[%dma_start3A_78, %dma_start3A_86, %dma_start3A_87] : memref<2x128x128xf32, #tpu.memory_space<vmem_shared>> -> memref<1x128x128xf32, #tpu.memory_space<vmem_shared>>
    %dma_start3A_89 = tpu.memref_squeeze %dma_start3A_88 : memref<1x128x128xf32, #tpu.memory_space<vmem_shared>> -> memref<128x128xf32, #tpu.memory_space<vmem_shared>>
    tpu.enqueue_dma source(%dma_start3A_89 : memref<128x128xf32, #tpu.memory_space<vmem_shared>>) target(%dma_start3A_80 : memref<128x128xf32, #tpu.memory_space<hbm>>) target_semaphore(%arg17 : memref<!tpu.dma_semaphore, #tpu.memory_space<semaphore_mem>>)
    %dma_start3A_90 = arith.constant 4 : i32
    %dma_start3A_91 = arith.constant 0 : i32
    %dma_start3A_92 = tpu.memref_slice %arg5[%dma_start3A_90, %dma_start3A_91] : memref<200x128xi32, #tpu.memory_space<vmem>> -> memref<1x128xi32, #tpu.memory_space<vmem>>
    %dma_start3A_93 = tpu.memref_squeeze %dma_start3A_92 : memref<1x128xi32, #tpu.memory_space<vmem>> -> memref<128xi32, #tpu.memory_space<vmem>>
    %dma_start3A_94 = arith.constant 0 : i32
    %dma_start3A_95 = arith.constant 0 : i32
    %dma_start3A_96 = tpu.memref_slice %arg3[%dma_start3A_94, %dma_start3A_95] : memref<100000x128xf32, #tpu.memory_space<hbm>> -> memref<100000x128xf32, #tpu.memory_space<hbm>>
    tpu.enqueue_indirect_dma source(%dma_start3A_96 : memref<100000x128xf32, #tpu.memory_space<hbm>>) target(%arg7 : memref<128x128xf32, #tpu.memory_space<vmem>>) offsets(%dma_start3A_93 : memref<128xi32, #tpu.memory_space<vmem>>) semaphore(%arg11 : memref<!tpu.dma_semaphore, #tpu.memory_space<semaphore_mem>>)
    %dma_wait3A_97 = arith.constant 1 : i32
    %dma_wait3A_98 = arith.constant 0 : i32
    %dma_wait3A_99 = tpu.memref_slice %arg5[%dma_wait3A_97, %dma_wait3A_98] : memref<200x128xi32, #tpu.memory_space<vmem>> -> memref<1x128xi32, #tpu.memory_space<vmem>>
    %dma_wait3A_100 = tpu.memref_squeeze %dma_wait3A_99 : memref<1x128xi32, #tpu.memory_space<vmem>> -> memref<128xi32, #tpu.memory_space<vmem>>
    %dma_wait3A_101 = arith.constant 0 : i32
    %dma_wait3A_102 = arith.constant 0 : i32
    %dma_wait3A_103 = tpu.memref_slice %arg3[%dma_wait3A_101, %dma_wait3A_102] : memref<100000x128xf32, #tpu.memory_space<hbm>> -> memref<100000x128xf32, #tpu.memory_space<hbm>>
    tpu.wait_indirect_dma semaphore(%arg12 : memref<!tpu.dma_semaphore, #tpu.memory_space<semaphore_mem>>) src(%dma_wait3A_103 : memref<100000x128xf32, #tpu.memory_space<hbm>>) dst(%arg8 : memref<128x128xf32, #tpu.memory_space<vmem>>)
    %dma_start3A_104 = arith.constant 1 : i32
    %dma_start3A_105 = arith.constant 0 : i32
    %dma_start3A_106 = arith.constant 0 : i32
    %dma_start3A_107 = arith.constant 0 : i32
    %dma_start3A_108 = tpu.memref_slice %arg6[%arg1, %dma_start3A_105, %dma_start3A_106, %dma_start3A_107] : memref<16x2x128x128xf32, #tpu.memory_space<vmem_shared>> -> memref<1x2x128x128xf32, #tpu.memory_space<vmem_shared>>
    %dma_start3A_109 = tpu.memref_squeeze %dma_start3A_108 : memref<1x2x128x128xf32, #tpu.memory_space<vmem_shared>> -> memref<2x128x128xf32, #tpu.memory_space<vmem_shared>>
    %dma_start3A_110 = arith.constant 0 : i32
    %dma_start3A_111 = arith.constant 0 : i32
    %dma_start3A_112 = tpu.memref_slice %dma_start3A_109[%dma_start3A_104, %dma_start3A_110, %dma_start3A_111] : memref<2x128x128xf32, #tpu.memory_space<vmem_shared>> -> memref<1x128x128xf32, #tpu.memory_space<vmem_shared>>
    %dma_start3A_113 = tpu.memref_squeeze %dma_start3A_112 : memref<1x128x128xf32, #tpu.memory_space<vmem_shared>> -> memref<128x128xf32, #tpu.memory_space<vmem_shared>>
    %dma_start3A_114 = arith.constant 0 : i32
    %dma_start3A_115 = arith.constant 0 : i32
    %dma_start3A_116 = arith.constant 0 : i32
    %dma_start3A_117 = tpu.memref_slice %arg6[%arg1, %dma_start3A_114, %dma_start3A_115, %dma_start3A_116] : memref<16x2x128x128xf32, #tpu.memory_space<vmem_shared>> -> memref<1x2x128x128xf32, #tpu.memory_space<vmem_shared>>
    %dma_start3A_118 = tpu.memref_squeeze %dma_start3A_117 : memref<1x2x128x128xf32, #tpu.memory_space<vmem_shared>> -> memref<2x128x128xf32, #tpu.memory_space<vmem_shared>>
    %dma_start3A_119 = arith.constant 0 : i32
    %dma_start3A_120 = arith.constant 0 : i32
    %dma_start3A_121 = tpu.memref_slice %dma_start3A_118[%dma_start3A_104, %dma_start3A_119, %dma_start3A_120] : memref<2x128x128xf32, #tpu.memory_space<vmem_shared>> -> memref<1x128x128xf32, #tpu.memory_space<vmem_shared>>
    %dma_start3A_122 = tpu.memref_squeeze %dma_start3A_121 : memref<1x128x128xf32, #tpu.memory_space<vmem_shared>> -> memref<128x128xf32, #tpu.memory_space<vmem_shared>>
    tpu.enqueue_dma source(%arg8 : memref<128x128xf32, #tpu.memory_space<vmem>>) target(%dma_start3A_122 : memref<128x128xf32, #tpu.memory_space<vmem_shared>>) target_semaphore(%arg16 : memref<!tpu.dma_semaphore, #tpu.memory_space<semaphore_mem>>)
    %dma_wait3A_123 = arith.constant 1 : i32
    %dma_wait3A_124 = arith.constant 0 : i32
    %dma_wait3A_125 = arith.constant 0 : i32
    %dma_wait3A_126 = arith.constant 0 : i32
    %dma_wait3A_127 = tpu.memref_slice %arg6[%arg1, %dma_wait3A_124, %dma_wait3A_125, %dma_wait3A_126] : memref<16x2x128x128xf32, #tpu.memory_space<vmem_shared>> -> memref<1x2x128x128xf32, #tpu.memory_space<vmem_shared>>
    %dma_wait3A_128 = tpu.memref_squeeze %dma_wait3A_127 : memref<1x2x128x128xf32, #tpu.memory_space<vmem_shared>> -> memref<2x128x128xf32, #tpu.memory_space<vmem_shared>>
    %dma_wait3A_129 = arith.constant 0 : i32
    %dma_wait3A_130 = arith.constant 0 : i32
    %dma_wait3A_131 = tpu.memref_slice %dma_wait3A_128[%dma_wait3A_123, %dma_wait3A_129, %dma_wait3A_130] : memref<2x128x128xf32, #tpu.memory_space<vmem_shared>> -> memref<1x128x128xf32, #tpu.memory_space<vmem_shared>>
    %dma_wait3A_132 = tpu.memref_squeeze %dma_wait3A_131 : memref<1x128x128xf32, #tpu.memory_space<vmem_shared>> -> memref<128x128xf32, #tpu.memory_space<vmem_shared>>
    %dma_wait3A_133 = arith.constant 0 : i32
    %dma_wait3A_134 = arith.constant 0 : i32
    %dma_wait3A_135 = arith.constant 0 : i32
    %dma_wait3A_136 = tpu.memref_slice %arg6[%arg1, %dma_wait3A_133, %dma_wait3A_134, %dma_wait3A_135] : memref<16x2x128x128xf32, #tpu.memory_space<vmem_shared>> -> memref<1x2x128x128xf32, #tpu.memory_space<vmem_shared>>
    %dma_wait3A_137 = tpu.memref_squeeze %dma_wait3A_136 : memref<1x2x128x128xf32, #tpu.memory_space<vmem_shared>> -> memref<2x128x128xf32, #tpu.memory_space<vmem_shared>>
    %dma_wait3A_138 = arith.constant 0 : i32
    %dma_wait3A_139 = arith.constant 0 : i32
    %dma_wait3A_140 = tpu.memref_slice %dma_wait3A_137[%dma_wait3A_123, %dma_wait3A_138, %dma_wait3A_139] : memref<2x128x128xf32, #tpu.memory_space<vmem_shared>> -> memref<1x128x128xf32, #tpu.memory_space<vmem_shared>>
    %dma_wait3A_141 = tpu.memref_squeeze %dma_wait3A_140 : memref<1x128x128xf32, #tpu.memory_space<vmem_shared>> -> memref<128x128xf32, #tpu.memory_space<vmem_shared>>
    tpu.wait_dma2 semaphore(%arg16 : memref<!tpu.dma_semaphore, #tpu.memory_space<semaphore_mem>>) src(%arg8 : memref<128x128xf32, #tpu.memory_space<vmem>>) dst(%dma_wait3A_141 : memref<128x128xf32, #tpu.memory_space<vmem_shared>>)
    %add3A_142 = arith.constant 1 : i32
    %add3A_143 = arith.addi %mul3A_2, %add3A_142 : i32
    %mul3A_144 = arith.constant 128 : i32
    %mul3A_145 = arith.muli %add3A_143, %mul3A_144 : i32
    %dma_start3A_146 = arith.constant 1 : i32
    %dma_start3A_147 = arith.constant 0 : i32
    %dma_start3A_148 = tpu.memref_slice %arg4[%mul3A_145, %dma_start3A_147] : memref<819200x128xf32, #tpu.memory_space<hbm>> -> memref<128x128xf32, #tpu.memory_space<hbm>>
    %dma_start3A_149 = arith.constant 0 : i32
    %dma_start3A_150 = arith.constant 0 : i32
    %dma_start3A_151 = arith.constant 0 : i32
    %dma_start3A_152 = tpu.memref_slice %arg6[%arg1, %dma_start3A_149, %dma_start3A_150, %dma_start3A_151] : memref<16x2x128x128xf32, #tpu.memory_space<vmem_shared>> -> memref<1x2x128x128xf32, #tpu.memory_space<vmem_shared>>
    %dma_start3A_153 = tpu.memref_squeeze %dma_start3A_152 : memref<1x2x128x128xf32, #tpu.memory_space<vmem_shared>> -> memref<2x128x128xf32, #tpu.memory_space<vmem_shared>>
    %dma_start3A_154 = arith.constant 0 : i32
    %dma_start3A_155 = arith.constant 0 : i32
    %dma_start3A_156 = tpu.memref_slice %dma_start3A_153[%dma_start3A_146, %dma_start3A_154, %dma_start3A_155] : memref<2x128x128xf32, #tpu.memory_space<vmem_shared>> -> memref<1x128x128xf32, #tpu.memory_space<vmem_shared>>
    %dma_start3A_157 = tpu.memref_squeeze %dma_start3A_156 : memref<1x128x128xf32, #tpu.memory_space<vmem_shared>> -> memref<128x128xf32, #tpu.memory_space<vmem_shared>>
    tpu.enqueue_dma source(%dma_start3A_157 : memref<128x128xf32, #tpu.memory_space<vmem_shared>>) target(%dma_start3A_148 : memref<128x128xf32, #tpu.memory_space<hbm>>) target_semaphore(%arg18 : memref<!tpu.dma_semaphore, #tpu.memory_space<semaphore_mem>>)
    %dma_start3A_158 = arith.constant 5 : i32
    %dma_start3A_159 = arith.constant 0 : i32
    %dma_start3A_160 = tpu.memref_slice %arg5[%dma_start3A_158, %dma_start3A_159] : memref<200x128xi32, #tpu.memory_space<vmem>> -> memref<1x128xi32, #tpu.memory_space<vmem>>
    %dma_start3A_161 = tpu.memref_squeeze %dma_start3A_160 : memref<1x128xi32, #tpu.memory_space<vmem>> -> memref<128xi32, #tpu.memory_space<vmem>>
    %dma_start3A_162 = arith.constant 0 : i32
    %dma_start3A_163 = arith.constant 0 : i32
    %dma_start3A_164 = tpu.memref_slice %arg3[%dma_start3A_162, %dma_start3A_163] : memref<100000x128xf32, #tpu.memory_space<hbm>> -> memref<100000x128xf32, #tpu.memory_space<hbm>>
    tpu.enqueue_indirect_dma source(%dma_start3A_164 : memref<100000x128xf32, #tpu.memory_space<hbm>>) target(%arg8 : memref<128x128xf32, #tpu.memory_space<vmem>>) offsets(%dma_start3A_161 : memref<128xi32, #tpu.memory_space<vmem>>) semaphore(%arg12 : memref<!tpu.dma_semaphore, #tpu.memory_space<semaphore_mem>>)
    %dma_wait3A_165 = arith.constant 2 : i32
    %dma_wait3A_166 = arith.constant 0 : i32
    %dma_wait3A_167 = tpu.memref_slice %arg5[%dma_wait3A_165, %dma_wait3A_166] : memref<200x128xi32, #tpu.memory_space<vmem>> -> memref<1x128xi32, #tpu.memory_space<vmem>>
    %dma_wait3A_168 = tpu.memref_squeeze %dma_wait3A_167 : memref<1x128xi32, #tpu.memory_space<vmem>> -> memref<128xi32, #tpu.memory_space<vmem>>
    %dma_wait3A_169 = arith.constant 0 : i32
    %dma_wait3A_170 = arith.constant 0 : i32
    %dma_wait3A_171 = tpu.memref_slice %arg3[%dma_wait3A_169, %dma_wait3A_170] : memref<100000x128xf32, #tpu.memory_space<hbm>> -> memref<100000x128xf32, #tpu.memory_space<hbm>>
    tpu.wait_indirect_dma semaphore(%arg13 : memref<!tpu.dma_semaphore, #tpu.memory_space<semaphore_mem>>) src(%dma_wait3A_171 : memref<100000x128xf32, #tpu.memory_space<hbm>>) dst(%arg9 : memref<128x128xf32, #tpu.memory_space<vmem>>)
    %mul3A_172 = arith.constant 128 : i32
    %mul3A_173 = arith.muli %mul3A_2, %mul3A_172 : i32
    %dma_wait3A_174 = arith.constant 0 : i32
    %dma_wait3A_175 = arith.constant 0 : i32
    %dma_wait3A_176 = tpu.memref_slice %arg4[%mul3A_173, %dma_wait3A_175] : memref<819200x128xf32, #tpu.memory_space<hbm>> -> memref<128x128xf32, #tpu.memory_space<hbm>>
    %dma_wait3A_177 = arith.constant 0 : i32
    %dma_wait3A_178 = arith.constant 0 : i32
    %dma_wait3A_179 = arith.constant 0 : i32
    %dma_wait3A_180 = tpu.memref_slice %arg6[%arg1, %dma_wait3A_177, %dma_wait3A_178, %dma_wait3A_179] : memref<16x2x128x128xf32, #tpu.memory_space<vmem_shared>> -> memref<1x2x128x128xf32, #tpu.memory_space<vmem_shared>>
    %dma_wait3A_181 = tpu.memref_squeeze %dma_wait3A_180 : memref<1x2x128x128xf32, #tpu.memory_space<vmem_shared>> -> memref<2x128x128xf32, #tpu.memory_space<vmem_shared>>
    %dma_wait3A_182 = arith.constant 0 : i32
    %dma_wait3A_183 = arith.constant 0 : i32
    %dma_wait3A_184 = tpu.memref_slice %dma_wait3A_181[%dma_wait3A_174, %dma_wait3A_182, %dma_wait3A_183] : memref<2x128x128xf32, #tpu.memory_space<vmem_shared>> -> memref<1x128x128xf32, #tpu.memory_space<vmem_shared>>
    %dma_wait3A_185 = tpu.memref_squeeze %dma_wait3A_184 : memref<1x128x128xf32, #tpu.memory_space<vmem_shared>> -> memref<128x128xf32, #tpu.memory_space<vmem_shared>>
    tpu.wait_dma2 semaphore(%arg17 : memref<!tpu.dma_semaphore, #tpu.memory_space<semaphore_mem>>) src(%dma_wait3A_185 : memref<128x128xf32, #tpu.memory_space<vmem_shared>>) dst(%dma_wait3A_176 : memref<128x128xf32, #tpu.memory_space<hbm>>)
    %dma_start3A_186 = arith.constant 0 : i32
    %dma_start3A_187 = arith.constant 0 : i32
    %dma_start3A_188 = arith.constant 0 : i32
    %dma_start3A_189 = arith.constant 0 : i32
    %dma_start3A_190 = tpu.memref_slice %arg6[%arg1, %dma_start3A_187, %dma_start3A_188, %dma_start3A_189] : memref<16x2x128x128xf32, #tpu.memory_space<vmem_shared>> -> memref<1x2x128x128xf32, #tpu.memory_space<vmem_shared>>
    %dma_start3A_191 = tpu.memref_squeeze %dma_start3A_190 : memref<1x2x128x128xf32, #tpu.memory_space<vmem_shared>> -> memref<2x128x128xf32, #tpu.memory_space<vmem_shared>>
    %dma_start3A_192 = arith.constant 0 : i32
    %dma_start3A_193 = arith.constant 0 : i32
    %dma_start3A_194 = tpu.memref_slice %dma_start3A_191[%dma_start3A_186, %dma_start3A_192, %dma_start3A_193] : memref<2x128x128xf32, #tpu.memory_space<vmem_shared>> -> memref<1x128x128xf32, #tpu.memory_space<vmem_shared>>
    %dma_start3A_195 = tpu.memref_squeeze %dma_start3A_194 : memref<1x128x128xf32, #tpu.memory_space<vmem_shared>> -> memref<128x128xf32, #tpu.memory_space<vmem_shared>>
    %dma_start3A_196 = arith.constant 0 : i32
    %dma_start3A_197 = arith.constant 0 : i32
    %dma_start3A_198 = arith.constant 0 : i32
    %dma_start3A_199 = tpu.memref_slice %arg6[%arg1, %dma_start3A_196, %dma_start3A_197, %dma_start3A_198] : memref<16x2x128x128xf32, #tpu.memory_space<vmem_shared>> -> memref<1x2x128x128xf32, #tpu.memory_space<vmem_shared>>
    %dma_start3A_200 = tpu.memref_squeeze %dma_start3A_199 : memref<1x2x128x128xf32, #tpu.memory_space<vmem_shared>> -> memref<2x128x128xf32, #tpu.memory_space<vmem_shared>>
    %dma_start3A_201 = arith.constant 0 : i32
    %dma_start3A_202 = arith.constant 0 : i32
    %dma_start3A_203 = tpu.memref_slice %dma_start3A_200[%dma_start3A_186, %dma_start3A_201, %dma_start3A_202] : memref<2x128x128xf32, #tpu.memory_space<vmem_shared>> -> memref<1x128x128xf32, #tpu.memory_space<vmem_shared>>
    %dma_start3A_204 = tpu.memref_squeeze %dma_start3A_203 : memref<1x128x128xf32, #tpu.memory_space<vmem_shared>> -> memref<128x128xf32, #tpu.memory_space<vmem_shared>>
    tpu.enqueue_dma source(%arg9 : memref<128x128xf32, #tpu.memory_space<vmem>>) target(%dma_start3A_204 : memref<128x128xf32, #tpu.memory_space<vmem_shared>>) target_semaphore(%arg15 : memref<!tpu.dma_semaphore, #tpu.memory_space<semaphore_mem>>)
    %dma_wait3A_205 = arith.constant 0 : i32
    %dma_wait3A_206 = arith.constant 0 : i32
    %dma_wait3A_207 = arith.constant 0 : i32
    %dma_wait3A_208 = arith.constant 0 : i32
    %dma_wait3A_209 = tpu.memref_slice %arg6[%arg1, %dma_wait3A_206, %dma_wait3A_207, %dma_wait3A_208] : memref<16x2x128x128xf32, #tpu.memory_space<vmem_shared>> -> memref<1x2x128x128xf32, #tpu.memory_space<vmem_shared>>
    %dma_wait3A_210 = tpu.memref_squeeze %dma_wait3A_209 : memref<1x2x128x128xf32, #tpu.memory_space<vmem_shared>> -> memref<2x128x128xf32, #tpu.memory_space<vmem_shared>>
    %dma_wait3A_211 = arith.constant 0 : i32
    %dma_wait3A_212 = arith.constant 0 : i32
    %dma_wait3A_213 = tpu.memref_slice %dma_wait3A_210[%dma_wait3A_205, %dma_wait3A_211, %dma_wait3A_212] : memref<2x128x128xf32, #tpu.memory_space<vmem_shared>> -> memref<1x128x128xf32, #tpu.memory_space<vmem_shared>>
    %dma_wait3A_214 = tpu.memref_squeeze %dma_wait3A_213 : memref<1x128x128xf32, #tpu.memory_space<vmem_shared>> -> memref<128x128xf32, #tpu.memory_space<vmem_shared>>
    %dma_wait3A_215 = arith.constant 0 : i32
    %dma_wait3A_216 = arith.constant 0 : i32
    %dma_wait3A_217 = arith.constant 0 : i32
    %dma_wait3A_218 = tpu.memref_slice %arg6[%arg1, %dma_wait3A_215, %dma_wait3A_216, %dma_wait3A_217] : memref<16x2x128x128xf32, #tpu.memory_space<vmem_shared>> -> memref<1x2x128x128xf32, #tpu.memory_space<vmem_shared>>
    %dma_wait3A_219 = tpu.memref_squeeze %dma_wait3A_218 : memref<1x2x128x128xf32, #tpu.memory_space<vmem_shared>> -> memref<2x128x128xf32, #tpu.memory_space<vmem_shared>>
    %dma_wait3A_220 = arith.constant 0 : i32
    %dma_wait3A_221 = arith.constant 0 : i32
    %dma_wait3A_222 = tpu.memref_slice %dma_wait3A_219[%dma_wait3A_205, %dma_wait3A_220, %dma_wait3A_221] : memref<2x128x128xf32, #tpu.memory_space<vmem_shared>> -> memref<1x128x128xf32, #tpu.memory_space<vmem_shared>>
    %dma_wait3A_223 = tpu.memref_squeeze %dma_wait3A_222 : memref<1x128x128xf32, #tpu.memory_space<vmem_shared>> -> memref<128x128xf32, #tpu.memory_space<vmem_shared>>
    tpu.wait_dma2 semaphore(%arg15 : memref<!tpu.dma_semaphore, #tpu.memory_space<semaphore_mem>>) src(%arg9 : memref<128x128xf32, #tpu.memory_space<vmem>>) dst(%dma_wait3A_223 : memref<128x128xf32, #tpu.memory_space<vmem_shared>>)
    %add3A_224 = arith.constant 2 : i32
    %add3A_225 = arith.addi %mul3A_2, %add3A_224 : i32
    %mul3A_226 = arith.constant 128 : i32
    %mul3A_227 = arith.muli %add3A_225, %mul3A_226 : i32
    %dma_start3A_228 = arith.constant 0 : i32
    %dma_start3A_229 = arith.constant 0 : i32
    %dma_start3A_230 = tpu.memref_slice %arg4[%mul3A_227, %dma_start3A_229] : memref<819200x128xf32, #tpu.memory_space<hbm>> -> memref<128x128xf32, #tpu.memory_space<hbm>>
    %dma_start3A_231 = arith.constant 0 : i32
    %dma_start3A_232 = arith.constant 0 : i32
    %dma_start3A_233 = arith.constant 0 : i32
    %dma_start3A_234 = tpu.memref_slice %arg6[%arg1, %dma_start3A_231, %dma_start3A_232, %dma_start3A_233] : memref<16x2x128x128xf32, #tpu.memory_space<vmem_shared>> -> memref<1x2x128x128xf32, #tpu.memory_space<vmem_shared>>
    %dma_start3A_235 = tpu.memref_squeeze %dma_start3A_234 : memref<1x2x128x128xf32, #tpu.memory_space<vmem_shared>> -> memref<2x128x128xf32, #tpu.memory_space<vmem_shared>>
    %dma_start3A_236 = arith.constant 0 : i32
    %dma_start3A_237 = arith.constant 0 : i32
    %dma_start3A_238 = tpu.memref_slice %dma_start3A_235[%dma_start3A_228, %dma_start3A_236, %dma_start3A_237] : memref<2x128x128xf32, #tpu.memory_space<vmem_shared>> -> memref<1x128x128xf32, #tpu.memory_space<vmem_shared>>
    %dma_start3A_239 = tpu.memref_squeeze %dma_start3A_238 : memref<1x128x128xf32, #tpu.memory_space<vmem_shared>> -> memref<128x128xf32, #tpu.memory_space<vmem_shared>>
    tpu.enqueue_dma source(%dma_start3A_239 : memref<128x128xf32, #tpu.memory_space<vmem_shared>>) target(%dma_start3A_230 : memref<128x128xf32, #tpu.memory_space<hbm>>) target_semaphore(%arg17 : memref<!tpu.dma_semaphore, #tpu.memory_space<semaphore_mem>>)
    %dma_start3A_240 = arith.constant 6 : i32
    %dma_start3A_241 = arith.constant 0 : i32
    %dma_start3A_242 = tpu.memref_slice %arg5[%dma_start3A_240, %dma_start3A_241] : memref<200x128xi32, #tpu.memory_space<vmem>> -> memref<1x128xi32, #tpu.memory_space<vmem>>
    %dma_start3A_243 = tpu.memref_squeeze %dma_start3A_242 : memref<1x128xi32, #tpu.memory_space<vmem>> -> memref<128xi32, #tpu.memory_space<vmem>>
    %dma_start3A_244 = arith.constant 0 : i32
    %dma_start3A_245 = arith.constant 0 : i32
    %dma_start3A_246 = tpu.memref_slice %arg3[%dma_start3A_244, %dma_start3A_245] : memref<100000x128xf32, #tpu.memory_space<hbm>> -> memref<100000x128xf32, #tpu.memory_space<hbm>>
    tpu.enqueue_indirect_dma source(%dma_start3A_246 : memref<100000x128xf32, #tpu.memory_space<hbm>>) target(%arg9 : memref<128x128xf32, #tpu.memory_space<vmem>>) offsets(%dma_start3A_243 : memref<128xi32, #tpu.memory_space<vmem>>) semaphore(%arg13 : memref<!tpu.dma_semaphore, #tpu.memory_space<semaphore_mem>>)
    %dma_wait3A_247 = arith.constant 3 : i32
    %dma_wait3A_248 = arith.constant 0 : i32
    %dma_wait3A_249 = tpu.memref_slice %arg5[%dma_wait3A_247, %dma_wait3A_248] : memref<200x128xi32, #tpu.memory_space<vmem>> -> memref<1x128xi32, #tpu.memory_space<vmem>>
    %dma_wait3A_250 = tpu.memref_squeeze %dma_wait3A_249 : memref<1x128xi32, #tpu.memory_space<vmem>> -> memref<128xi32, #tpu.memory_space<vmem>>
    %dma_wait3A_251 = arith.constant 0 : i32
    %dma_wait3A_252 = arith.constant 0 : i32
    %dma_wait3A_253 = tpu.memref_slice %arg3[%dma_wait3A_251, %dma_wait3A_252] : memref<100000x128xf32, #tpu.memory_space<hbm>> -> memref<100000x128xf32, #tpu.memory_space<hbm>>
    tpu.wait_indirect_dma semaphore(%arg14 : memref<!tpu.dma_semaphore, #tpu.memory_space<semaphore_mem>>) src(%dma_wait3A_253 : memref<100000x128xf32, #tpu.memory_space<hbm>>) dst(%arg10 : memref<128x128xf32, #tpu.memory_space<vmem>>)
    %mul3A_254 = arith.constant 128 : i32
    %mul3A_255 = arith.muli %mul3A_2, %mul3A_254 : i32
    %dma_wait3A_256 = arith.constant 1 : i32
    %dma_wait3A_257 = arith.constant 0 : i32
    %dma_wait3A_258 = tpu.memref_slice %arg4[%mul3A_255, %dma_wait3A_257] : memref<819200x128xf32, #tpu.memory_space<hbm>> -> memref<128x128xf32, #tpu.memory_space<hbm>>
    %dma_wait3A_259 = arith.constant 0 : i32
    %dma_wait3A_260 = arith.constant 0 : i32
    %dma_wait3A_261 = arith.constant 0 : i32
    %dma_wait3A_262 = tpu.memref_slice %arg6[%arg1, %dma_wait3A_259, %dma_wait3A_260, %dma_wait3A_261] : memref<16x2x128x128xf32, #tpu.memory_space<vmem_shared>> -> memref<1x2x128x128xf32, #tpu.memory_space<vmem_shared>>
    %dma_wait3A_263 = tpu.memref_squeeze %dma_wait3A_262 : memref<1x2x128x128xf32, #tpu.memory_space<vmem_shared>> -> memref<2x128x128xf32, #tpu.memory_space<vmem_shared>>
    %dma_wait3A_264 = arith.constant 0 : i32
    %dma_wait3A_265 = arith.constant 0 : i32
    %dma_wait3A_266 = tpu.memref_slice %dma_wait3A_263[%dma_wait3A_256, %dma_wait3A_264, %dma_wait3A_265] : memref<2x128x128xf32, #tpu.memory_space<vmem_shared>> -> memref<1x128x128xf32, #tpu.memory_space<vmem_shared>>
    %dma_wait3A_267 = tpu.memref_squeeze %dma_wait3A_266 : memref<1x128x128xf32, #tpu.memory_space<vmem_shared>> -> memref<128x128xf32, #tpu.memory_space<vmem_shared>>
    tpu.wait_dma2 semaphore(%arg18 : memref<!tpu.dma_semaphore, #tpu.memory_space<semaphore_mem>>) src(%dma_wait3A_267 : memref<128x128xf32, #tpu.memory_space<vmem_shared>>) dst(%dma_wait3A_258 : memref<128x128xf32, #tpu.memory_space<hbm>>)
    %dma_start3A_268 = arith.constant 1 : i32
    %dma_start3A_269 = arith.constant 0 : i32
    %dma_start3A_270 = arith.constant 0 : i32
    %dma_start3A_271 = arith.constant 0 : i32
    %dma_start3A_272 = tpu.memref_slice %arg6[%arg1, %dma_start3A_269, %dma_start3A_270, %dma_start3A_271] : memref<16x2x128x128xf32, #tpu.memory_space<vmem_shared>> -> memref<1x2x128x128xf32, #tpu.memory_space<vmem_shared>>
    %dma_start3A_273 = tpu.memref_squeeze %dma_start3A_272 : memref<1x2x128x128xf32, #tpu.memory_space<vmem_shared>> -> memref<2x128x128xf32, #tpu.memory_space<vmem_shared>>
    %dma_start3A_274 = arith.constant 0 : i32
    %dma_start3A_275 = arith.constant 0 : i32
    %dma_start3A_276 = tpu.memref_slice %dma_start3A_273[%dma_start3A_268, %dma_start3A_274, %dma_start3A_275] : memref<2x128x128xf32, #tpu.memory_space<vmem_shared>> -> memref<1x128x128xf32, #tpu.memory_space<vmem_shared>>
    %dma_start3A_277 = tpu.memref_squeeze %dma_start3A_276 : memref<1x128x128xf32, #tpu.memory_space<vmem_shared>> -> memref<128x128xf32, #tpu.memory_space<vmem_shared>>
    %dma_start3A_278 = arith.constant 0 : i32
    %dma_start3A_279 = arith.constant 0 : i32
    %dma_start3A_280 = arith.constant 0 : i32
    %dma_start3A_281 = tpu.memref_slice %arg6[%arg1, %dma_start3A_278, %dma_start3A_279, %dma_start3A_280] : memref<16x2x128x128xf32, #tpu.memory_space<vmem_shared>> -> memref<1x2x128x128xf32, #tpu.memory_space<vmem_shared>>
    %dma_start3A_282 = tpu.memref_squeeze %dma_start3A_281 : memref<1x2x128x128xf32, #tpu.memory_space<vmem_shared>> -> memref<2x128x128xf32, #tpu.memory_space<vmem_shared>>
    %dma_start3A_283 = arith.constant 0 : i32
    %dma_start3A_284 = arith.constant 0 : i32
    %dma_start3A_285 = tpu.memref_slice %dma_start3A_282[%dma_start3A_268, %dma_start3A_283, %dma_start3A_284] : memref<2x128x128xf32, #tpu.memory_space<vmem_shared>> -> memref<1x128x128xf32, #tpu.memory_space<vmem_shared>>
    %dma_start3A_286 = tpu.memref_squeeze %dma_start3A_285 : memref<1x128x128xf32, #tpu.memory_space<vmem_shared>> -> memref<128x128xf32, #tpu.memory_space<vmem_shared>>
    tpu.enqueue_dma source(%arg10 : memref<128x128xf32, #tpu.memory_space<vmem>>) target(%dma_start3A_286 : memref<128x128xf32, #tpu.memory_space<vmem_shared>>) target_semaphore(%arg16 : memref<!tpu.dma_semaphore, #tpu.memory_space<semaphore_mem>>)
    %dma_wait3A_287 = arith.constant 1 : i32
    %dma_wait3A_288 = arith.constant 0 : i32
    %dma_wait3A_289 = arith.constant 0 : i32
    %dma_wait3A_290 = arith.constant 0 : i32
    %dma_wait3A_291 = tpu.memref_slice %arg6[%arg1, %dma_wait3A_288, %dma_wait3A_289, %dma_wait3A_290] : memref<16x2x128x128xf32, #tpu.memory_space<vmem_shared>> -> memref<1x2x128x128xf32, #tpu.memory_space<vmem_shared>>
    %dma_wait3A_292 = tpu.memref_squeeze %dma_wait3A_291 : memref<1x2x128x128xf32, #tpu.memory_space<vmem_shared>> -> memref<2x128x128xf32, #tpu.memory_space<vmem_shared>>
    %dma_wait3A_293 = arith.constant 0 : i32
    %dma_wait3A_294 = arith.constant 0 : i32
    %dma_wait3A_295 = tpu.memref_slice %dma_wait3A_292[%dma_wait3A_287, %dma_wait3A_293, %dma_wait3A_294] : memref<2x128x128xf32, #tpu.memory_space<vmem_shared>> -> memref<1x128x128xf32, #tpu.memory_space<vmem_shared>>
    %dma_wait3A_296 = tpu.memref_squeeze %dma_wait3A_295 : memref<1x128x128xf32, #tpu.memory_space<vmem_shared>> -> memref<128x128xf32, #tpu.memory_space<vmem_shared>>
    %dma_wait3A_297 = arith.constant 0 : i32
    %dma_wait3A_298 = arith.constant 0 : i32
    %dma_wait3A_299 = arith.constant 0 : i32
    %dma_wait3A_300 = tpu.memref_slice %arg6[%arg1, %dma_wait3A_297, %dma_wait3A_298, %dma_wait3A_299] : memref<16x2x128x128xf32, #tpu.memory_space<vmem_shared>> -> memref<1x2x128x128xf32, #tpu.memory_space<vmem_shared>>
    %dma_wait3A_301 = tpu.memref_squeeze %dma_wait3A_300 : memref<1x2x128x128xf32, #tpu.memory_space<vmem_shared>> -> memref<2x128x128xf32, #tpu.memory_space<vmem_shared>>
    %dma_wait3A_302 = arith.constant 0 : i32
    %dma_wait3A_303 = arith.constant 0 : i32
    %dma_wait3A_304 = tpu.memref_slice %dma_wait3A_301[%dma_wait3A_287, %dma_wait3A_302, %dma_wait3A_303] : memref<2x128x128xf32, #tpu.memory_space<vmem_shared>> -> memref<1x128x128xf32, #tpu.memory_space<vmem_shared>>
    %dma_wait3A_305 = tpu.memref_squeeze %dma_wait3A_304 : memref<1x128x128xf32, #tpu.memory_space<vmem_shared>> -> memref<128x128xf32, #tpu.memory_space<vmem_shared>>
    tpu.wait_dma2 semaphore(%arg16 : memref<!tpu.dma_semaphore, #tpu.memory_space<semaphore_mem>>) src(%arg10 : memref<128x128xf32, #tpu.memory_space<vmem>>) dst(%dma_wait3A_305 : memref<128x128xf32, #tpu.memory_space<vmem_shared>>)
    %add3A_306 = arith.constant 3 : i32
    %add3A_307 = arith.addi %mul3A_2, %add3A_306 : i32
    %mul3A_308 = arith.constant 128 : i32
    %mul3A_309 = arith.muli %add3A_307, %mul3A_308 : i32
    %dma_start3A_310 = arith.constant 1 : i32
    %dma_start3A_311 = arith.constant 0 : i32
    %dma_start3A_312 = tpu.memref_slice %arg4[%mul3A_309, %dma_start3A_311] : memref<819200x128xf32, #tpu.memory_space<hbm>> -> memref<128x128xf32, #tpu.memory_space<hbm>>
    %dma_start3A_313 = arith.constant 0 : i32
    %dma_start3A_314 = arith.constant 0 : i32
    %dma_start3A_315 = arith.constant 0 : i32
    %dma_start3A_316 = tpu.memref_slice %arg6[%arg1, %dma_start3A_313, %dma_start3A_314, %dma_start3A_315] : memref<16x2x128x128xf32, #tpu.memory_space<vmem_shared>> -> memref<1x2x128x128xf32, #tpu.memory_space<vmem_shared>>
    %dma_start3A_317 = tpu.memref_squeeze %dma_start3A_316 : memref<1x2x128x128xf32, #tpu.memory_space<vmem_shared>> -> memref<2x128x128xf32, #tpu.memory_space<vmem_shared>>
    %dma_start3A_318 = arith.constant 0 : i32
    %dma_start3A_319 = arith.constant 0 : i32
    %dma_start3A_320 = tpu.memref_slice %dma_start3A_317[%dma_start3A_310, %dma_start3A_318, %dma_start3A_319] : memref<2x128x128xf32, #tpu.memory_space<vmem_shared>> -> memref<1x128x128xf32, #tpu.memory_space<vmem_shared>>
    %dma_start3A_321 = tpu.memref_squeeze %dma_start3A_320 : memref<1x128x128xf32, #tpu.memory_space<vmem_shared>> -> memref<128x128xf32, #tpu.memory_space<vmem_shared>>
    tpu.enqueue_dma source(%dma_start3A_321 : memref<128x128xf32, #tpu.memory_space<vmem_shared>>) target(%dma_start3A_312 : memref<128x128xf32, #tpu.memory_space<hbm>>) target_semaphore(%arg18 : memref<!tpu.dma_semaphore, #tpu.memory_space<semaphore_mem>>)
    %dma_start3A_322 = arith.constant 7 : i32
    %dma_start3A_323 = arith.constant 0 : i32
    %dma_start3A_324 = tpu.memref_slice %arg5[%dma_start3A_322, %dma_start3A_323] : memref<200x128xi32, #tpu.memory_space<vmem>> -> memref<1x128xi32, #tpu.memory_space<vmem>>
    %dma_start3A_325 = tpu.memref_squeeze %dma_start3A_324 : memref<1x128xi32, #tpu.memory_space<vmem>> -> memref<128xi32, #tpu.memory_space<vmem>>
    %dma_start3A_326 = arith.constant 0 : i32
    %dma_start3A_327 = arith.constant 0 : i32
    %dma_start3A_328 = tpu.memref_slice %arg3[%dma_start3A_326, %dma_start3A_327] : memref<100000x128xf32, #tpu.memory_space<hbm>> -> memref<100000x128xf32, #tpu.memory_space<hbm>>
    tpu.enqueue_indirect_dma source(%dma_start3A_328 : memref<100000x128xf32, #tpu.memory_space<hbm>>) target(%arg10 : memref<128x128xf32, #tpu.memory_space<vmem>>) offsets(%dma_start3A_325 : memref<128xi32, #tpu.memory_space<vmem>>) semaphore(%arg14 : memref<!tpu.dma_semaphore, #tpu.memory_space<semaphore_mem>>)
    %scan3A = arith.constant 0 : i32
    %scan3A_329 = arith.constant 0 : i32
    %scan3A_330 = arith.constant 49 : i32
    %scan3A_331 = arith.addi %scan3A_329, %scan3A_330 : i32
    %scan3A_332 = arith.constant 1 : i32
    scf.for %scan3A_390 = %scan3A_329 to %scan3A_331 step %scan3A_332  : i32 {
      %mul3A_391 = arith.constant 4 : i32
      %mul3A_392 = arith.muli %scan3A_390, %mul3A_391 : i32
      %add3A_393 = arith.constant 4 : i32
      %add3A_394 = arith.addi %add3A_393, %mul3A_392 : i32
      %add3A_395 = arith.constant 0 : i32
      %add3A_396 = arith.addi %add3A_394, %add3A_395 : i32
      %dma_wait3A_397 = arith.constant 0 : i32
      %dma_wait3A_398 = tpu.memref_slice %arg5[%add3A_396, %dma_wait3A_397] : memref<200x128xi32, #tpu.memory_space<vmem>> -> memref<1x128xi32, #tpu.memory_space<vmem>>
      %dma_wait3A_399 = tpu.memref_squeeze %dma_wait3A_398 : memref<1x128xi32, #tpu.memory_space<vmem>> -> memref<128xi32, #tpu.memory_space<vmem>>
      %dma_wait3A_400 = arith.constant 0 : i32
      %dma_wait3A_401 = arith.constant 0 : i32
      %dma_wait3A_402 = tpu.memref_slice %arg3[%dma_wait3A_400, %dma_wait3A_401] : memref<100000x128xf32, #tpu.memory_space<hbm>> -> memref<100000x128xf32, #tpu.memory_space<hbm>>
      tpu.wait_indirect_dma semaphore(%arg11 : memref<!tpu.dma_semaphore, #tpu.memory_space<semaphore_mem>>) src(%dma_wait3A_402 : memref<100000x128xf32, #tpu.memory_space<hbm>>) dst(%arg7 : memref<128x128xf32, #tpu.memory_space<vmem>>)
      %mul3A_403 = arith.constant 128 : i32
      %mul3A_404 = arith.muli %mul3A_2, %mul3A_403 : i32
      %dma_wait3A_405 = arith.constant 0 : i32
      %dma_wait3A_406 = arith.constant 0 : i32
      %dma_wait3A_407 = tpu.memref_slice %arg4[%mul3A_404, %dma_wait3A_406] : memref<819200x128xf32, #tpu.memory_space<hbm>> -> memref<128x128xf32, #tpu.memory_space<hbm>>
      %dma_wait3A_408 = arith.constant 0 : i32
      %dma_wait3A_409 = arith.constant 0 : i32
      %dma_wait3A_410 = arith.constant 0 : i32
      %dma_wait3A_411 = tpu.memref_slice %arg6[%arg1, %dma_wait3A_408, %dma_wait3A_409, %dma_wait3A_410] : memref<16x2x128x128xf32, #tpu.memory_space<vmem_shared>> -> memref<1x2x128x128xf32, #tpu.memory_space<vmem_shared>>
      %dma_wait3A_412 = tpu.memref_squeeze %dma_wait3A_411 : memref<1x2x128x128xf32, #tpu.memory_space<vmem_shared>> -> memref<2x128x128xf32, #tpu.memory_space<vmem_shared>>
      %dma_wait3A_413 = arith.constant 0 : i32
      %dma_wait3A_414 = arith.constant 0 : i32
      %dma_wait3A_415 = tpu.memref_slice %dma_wait3A_412[%dma_wait3A_405, %dma_wait3A_413, %dma_wait3A_414] : memref<2x128x128xf32, #tpu.memory_space<vmem_shared>> -> memref<1x128x128xf32, #tpu.memory_space<vmem_shared>>
      %dma_wait3A_416 = tpu.memref_squeeze %dma_wait3A_415 : memref<1x128x128xf32, #tpu.memory_space<vmem_shared>> -> memref<128x128xf32, #tpu.memory_space<vmem_shared>>
      tpu.wait_dma2 semaphore(%arg17 : memref<!tpu.dma_semaphore, #tpu.memory_space<semaphore_mem>>) src(%dma_wait3A_416 : memref<128x128xf32, #tpu.memory_space<vmem_shared>>) dst(%dma_wait3A_407 : memref<128x128xf32, #tpu.memory_space<hbm>>)
      %dma_start3A_417 = arith.constant 0 : i32
      %dma_start3A_418 = arith.constant 0 : i32
      %dma_start3A_419 = arith.constant 0 : i32
      %dma_start3A_420 = arith.constant 0 : i32
      %dma_start3A_421 = tpu.memref_slice %arg6[%arg1, %dma_start3A_418, %dma_start3A_419, %dma_start3A_420] : memref<16x2x128x128xf32, #tpu.memory_space<vmem_shared>> -> memref<1x2x128x128xf32, #tpu.memory_space<vmem_shared>>
      %dma_start3A_422 = tpu.memref_squeeze %dma_start3A_421 : memref<1x2x128x128xf32, #tpu.memory_space<vmem_shared>> -> memref<2x128x128xf32, #tpu.memory_space<vmem_shared>>
      %dma_start3A_423 = arith.constant 0 : i32
      %dma_start3A_424 = arith.constant 0 : i32
      %dma_start3A_425 = tpu.memref_slice %dma_start3A_422[%dma_start3A_417, %dma_start3A_423, %dma_start3A_424] : memref<2x128x128xf32, #tpu.memory_space<vmem_shared>> -> memref<1x128x128xf32, #tpu.memory_space<vmem_shared>>
      %dma_start3A_426 = tpu.memref_squeeze %dma_start3A_425 : memref<1x128x128xf32, #tpu.memory_space<vmem_shared>> -> memref<128x128xf32, #tpu.memory_space<vmem_shared>>
      %dma_start3A_427 = arith.constant 0 : i32
      %dma_start3A_428 = arith.constant 0 : i32
      %dma_start3A_429 = arith.constant 0 : i32
      %dma_start3A_430 = tpu.memref_slice %arg6[%arg1, %dma_start3A_427, %dma_start3A_428, %dma_start3A_429] : memref<16x2x128x128xf32, #tpu.memory_space<vmem_shared>> -> memref<1x2x128x128xf32, #tpu.memory_space<vmem_shared>>
      %dma_start3A_431 = tpu.memref_squeeze %dma_start3A_430 : memref<1x2x128x128xf32, #tpu.memory_space<vmem_shared>> -> memref<2x128x128xf32, #tpu.memory_space<vmem_shared>>
      %dma_start3A_432 = arith.constant 0 : i32
      %dma_start3A_433 = arith.constant 0 : i32
      %dma_start3A_434 = tpu.memref_slice %dma_start3A_431[%dma_start3A_417, %dma_start3A_432, %dma_start3A_433] : memref<2x128x128xf32, #tpu.memory_space<vmem_shared>> -> memref<1x128x128xf32, #tpu.memory_space<vmem_shared>>
      %dma_start3A_435 = tpu.memref_squeeze %dma_start3A_434 : memref<1x128x128xf32, #tpu.memory_space<vmem_shared>> -> memref<128x128xf32, #tpu.memory_space<vmem_shared>>
      tpu.enqueue_dma source(%arg7 : memref<128x128xf32, #tpu.memory_space<vmem>>) target(%dma_start3A_435 : memref<128x128xf32, #tpu.memory_space<vmem_shared>>) target_semaphore(%arg15 : memref<!tpu.dma_semaphore, #tpu.memory_space<semaphore_mem>>)
      %dma_wait3A_436 = arith.constant 0 : i32
      %dma_wait3A_437 = arith.constant 0 : i32
      %dma_wait3A_438 = arith.constant 0 : i32
      %dma_wait3A_439 = arith.constant 0 : i32
      %dma_wait3A_440 = tpu.memref_slice %arg6[%arg1, %dma_wait3A_437, %dma_wait3A_438, %dma_wait3A_439] : memref<16x2x128x128xf32, #tpu.memory_space<vmem_shared>> -> memref<1x2x128x128xf32, #tpu.memory_space<vmem_shared>>
      %dma_wait3A_441 = tpu.memref_squeeze %dma_wait3A_440 : memref<1x2x128x128xf32, #tpu.memory_space<vmem_shared>> -> memref<2x128x128xf32, #tpu.memory_space<vmem_shared>>
      %dma_wait3A_442 = arith.constant 0 : i32
      %dma_wait3A_443 = arith.constant 0 : i32
      %dma_wait3A_444 = tpu.memref_slice %dma_wait3A_441[%dma_wait3A_436, %dma_wait3A_442, %dma_wait3A_443] : memref<2x128x128xf32, #tpu.memory_space<vmem_shared>> -> memref<1x128x128xf32, #tpu.memory_space<vmem_shared>>
      %dma_wait3A_445 = tpu.memref_squeeze %dma_wait3A_444 : memref<1x128x128xf32, #tpu.memory_space<vmem_shared>> -> memref<128x128xf32, #tpu.memory_space<vmem_shared>>
      %dma_wait3A_446 = arith.constant 0 : i32
      %dma_wait3A_447 = arith.constant 0 : i32
      %dma_wait3A_448 = arith.constant 0 : i32
      %dma_wait3A_449 = tpu.memref_slice %arg6[%arg1, %dma_wait3A_446, %dma_wait3A_447, %dma_wait3A_448] : memref<16x2x128x128xf32, #tpu.memory_space<vmem_shared>> -> memref<1x2x128x128xf32, #tpu.memory_space<vmem_shared>>
      %dma_wait3A_450 = tpu.memref_squeeze %dma_wait3A_449 : memref<1x2x128x128xf32, #tpu.memory_space<vmem_shared>> -> memref<2x128x128xf32, #tpu.memory_space<vmem_shared>>
      %dma_wait3A_451 = arith.constant 0 : i32
      %dma_wait3A_452 = arith.constant 0 : i32
      %dma_wait3A_453 = tpu.memref_slice %dma_wait3A_450[%dma_wait3A_436, %dma_wait3A_451, %dma_wait3A_452] : memref<2x128x128xf32, #tpu.memory_space<vmem_shared>> -> memref<1x128x128xf32, #tpu.memory_space<vmem_shared>>
      %dma_wait3A_454 = tpu.memref_squeeze %dma_wait3A_453 : memref<1x128x128xf32, #tpu.memory_space<vmem_shared>> -> memref<128x128xf32, #tpu.memory_space<vmem_shared>>
      tpu.wait_dma2 semaphore(%arg15 : memref<!tpu.dma_semaphore, #tpu.memory_space<semaphore_mem>>) src(%arg7 : memref<128x128xf32, #tpu.memory_space<vmem>>) dst(%dma_wait3A_454 : memref<128x128xf32, #tpu.memory_space<vmem_shared>>)
      %add3A_455 = arith.addi %mul3A_2, %add3A_396 : i32
      %mul3A_456 = arith.constant 128 : i32
      %mul3A_457 = arith.muli %add3A_455, %mul3A_456 : i32
      %dma_start3A_458 = arith.constant 0 : i32
      %dma_start3A_459 = arith.constant 0 : i32
      %dma_start3A_460 = tpu.memref_slice %arg4[%mul3A_457, %dma_start3A_459] : memref<819200x128xf32, #tpu.memory_space<hbm>> -> memref<128x128xf32, #tpu.memory_space<hbm>>
      %dma_start3A_461 = arith.constant 0 : i32
      %dma_start3A_462 = arith.constant 0 : i32
      %dma_start3A_463 = arith.constant 0 : i32
      %dma_start3A_464 = tpu.memref_slice %arg6[%arg1, %dma_start3A_461, %dma_start3A_462, %dma_start3A_463] : memref<16x2x128x128xf32, #tpu.memory_space<vmem_shared>> -> memref<1x2x128x128xf32, #tpu.memory_space<vmem_shared>>
      %dma_start3A_465 = tpu.memref_squeeze %dma_start3A_464 : memref<1x2x128x128xf32, #tpu.memory_space<vmem_shared>> -> memref<2x128x128xf32, #tpu.memory_space<vmem_shared>>
      %dma_start3A_466 = arith.constant 0 : i32
      %dma_start3A_467 = arith.constant 0 : i32
      %dma_start3A_468 = tpu.memref_slice %dma_start3A_465[%dma_start3A_458, %dma_start3A_466, %dma_start3A_467] : memref<2x128x128xf32, #tpu.memory_space<vmem_shared>> -> memref<1x128x128xf32, #tpu.memory_space<vmem_shared>>
      %dma_start3A_469 = tpu.memref_squeeze %dma_start3A_468 : memref<1x128x128xf32, #tpu.memory_space<vmem_shared>> -> memref<128x128xf32, #tpu.memory_space<vmem_shared>>
      tpu.enqueue_dma source(%dma_start3A_469 : memref<128x128xf32, #tpu.memory_space<vmem_shared>>) target(%dma_start3A_460 : memref<128x128xf32, #tpu.memory_space<hbm>>) target_semaphore(%arg17 : memref<!tpu.dma_semaphore, #tpu.memory_space<semaphore_mem>>)
      %add3A_470 = arith.constant 4 : i32
      %add3A_471 = arith.addi %add3A_396, %add3A_470 : i32
      %min3A = arith.constant 199 : i32
      %min3A_472 = arith.minsi %add3A_471, %min3A : i32
      %dma_start3A_473 = arith.constant 0 : i32
      %dma_start3A_474 = tpu.memref_slice %arg5[%min3A_472, %dma_start3A_473] : memref<200x128xi32, #tpu.memory_space<vmem>> -> memref<1x128xi32, #tpu.memory_space<vmem>>
      %dma_start3A_475 = tpu.memref_squeeze %dma_start3A_474 : memref<1x128xi32, #tpu.memory_space<vmem>> -> memref<128xi32, #tpu.memory_space<vmem>>
      %dma_start3A_476 = arith.constant 0 : i32
      %dma_start3A_477 = arith.constant 0 : i32
      %dma_start3A_478 = tpu.memref_slice %arg3[%dma_start3A_476, %dma_start3A_477] : memref<100000x128xf32, #tpu.memory_space<hbm>> -> memref<100000x128xf32, #tpu.memory_space<hbm>>
      tpu.enqueue_indirect_dma source(%dma_start3A_478 : memref<100000x128xf32, #tpu.memory_space<hbm>>) target(%arg7 : memref<128x128xf32, #tpu.memory_space<vmem>>) offsets(%dma_start3A_475 : memref<128xi32, #tpu.memory_space<vmem>>) semaphore(%arg11 : memref<!tpu.dma_semaphore, #tpu.memory_space<semaphore_mem>>)
      %mul3A_479 = arith.constant 4 : i32
      %mul3A_480 = arith.muli %scan3A_390, %mul3A_479 : i32
      %add3A_481 = arith.constant 4 : i32
      %add3A_482 = arith.addi %add3A_481, %mul3A_480 : i32
      %add3A_483 = arith.constant 1 : i32
      %add3A_484 = arith.addi %add3A_482, %add3A_483 : i32
      %dma_wait3A_485 = arith.constant 0 : i32
      %dma_wait3A_486 = tpu.memref_slice %arg5[%add3A_484, %dma_wait3A_485] : memref<200x128xi32, #tpu.memory_space<vmem>> -> memref<1x128xi32, #tpu.memory_space<vmem>>
      %dma_wait3A_487 = tpu.memref_squeeze %dma_wait3A_486 : memref<1x128xi32, #tpu.memory_space<vmem>> -> memref<128xi32, #tpu.memory_space<vmem>>
      %dma_wait3A_488 = arith.constant 0 : i32
      %dma_wait3A_489 = arith.constant 0 : i32
      %dma_wait3A_490 = tpu.memref_slice %arg3[%dma_wait3A_488, %dma_wait3A_489] : memref<100000x128xf32, #tpu.memory_space<hbm>> -> memref<100000x128xf32, #tpu.memory_space<hbm>>
      tpu.wait_indirect_dma semaphore(%arg12 : memref<!tpu.dma_semaphore, #tpu.memory_space<semaphore_mem>>) src(%dma_wait3A_490 : memref<100000x128xf32, #tpu.memory_space<hbm>>) dst(%arg8 : memref<128x128xf32, #tpu.memory_space<vmem>>)
      %mul3A_491 = arith.constant 128 : i32
      %mul3A_492 = arith.muli %mul3A_2, %mul3A_491 : i32
      %dma_wait3A_493 = arith.constant 1 : i32
      %dma_wait3A_494 = arith.constant 0 : i32
      %dma_wait3A_495 = tpu.memref_slice %arg4[%mul3A_492, %dma_wait3A_494] : memref<819200x128xf32, #tpu.memory_space<hbm>> -> memref<128x128xf32, #tpu.memory_space<hbm>>
      %dma_wait3A_496 = arith.constant 0 : i32
      %dma_wait3A_497 = arith.constant 0 : i32
      %dma_wait3A_498 = arith.constant 0 : i32
      %dma_wait3A_499 = tpu.memref_slice %arg6[%arg1, %dma_wait3A_496, %dma_wait3A_497, %dma_wait3A_498] : memref<16x2x128x128xf32, #tpu.memory_space<vmem_shared>> -> memref<1x2x128x128xf32, #tpu.memory_space<vmem_shared>>
      %dma_wait3A_500 = tpu.memref_squeeze %dma_wait3A_499 : memref<1x2x128x128xf32, #tpu.memory_space<vmem_shared>> -> memref<2x128x128xf32, #tpu.memory_space<vmem_shared>>
      %dma_wait3A_501 = arith.constant 0 : i32
      %dma_wait3A_502 = arith.constant 0 : i32
      %dma_wait3A_503 = tpu.memref_slice %dma_wait3A_500[%dma_wait3A_493, %dma_wait3A_501, %dma_wait3A_502] : memref<2x128x128xf32, #tpu.memory_space<vmem_shared>> -> memref<1x128x128xf32, #tpu.memory_space<vmem_shared>>
      %dma_wait3A_504 = tpu.memref_squeeze %dma_wait3A_503 : memref<1x128x128xf32, #tpu.memory_space<vmem_shared>> -> memref<128x128xf32, #tpu.memory_space<vmem_shared>>
      tpu.wait_dma2 semaphore(%arg18 : memref<!tpu.dma_semaphore, #tpu.memory_space<semaphore_mem>>) src(%dma_wait3A_504 : memref<128x128xf32, #tpu.memory_space<vmem_shared>>) dst(%dma_wait3A_495 : memref<128x128xf32, #tpu.memory_space<hbm>>)
      %dma_start3A_505 = arith.constant 1 : i32
      %dma_start3A_506 = arith.constant 0 : i32
      %dma_start3A_507 = arith.constant 0 : i32
      %dma_start3A_508 = arith.constant 0 : i32
      %dma_start3A_509 = tpu.memref_slice %arg6[%arg1, %dma_start3A_506, %dma_start3A_507, %dma_start3A_508] : memref<16x2x128x128xf32, #tpu.memory_space<vmem_shared>> -> memref<1x2x128x128xf32, #tpu.memory_space<vmem_shared>>
      %dma_start3A_510 = tpu.memref_squeeze %dma_start3A_509 : memref<1x2x128x128xf32, #tpu.memory_space<vmem_shared>> -> memref<2x128x128xf32, #tpu.memory_space<vmem_shared>>
      %dma_start3A_511 = arith.constant 0 : i32
      %dma_start3A_512 = arith.constant 0 : i32
      %dma_start3A_513 = tpu.memref_slice %dma_start3A_510[%dma_start3A_505, %dma_start3A_511, %dma_start3A_512] : memref<2x128x128xf32, #tpu.memory_space<vmem_shared>> -> memref<1x128x128xf32, #tpu.memory_space<vmem_shared>>
      %dma_start3A_514 = tpu.memref_squeeze %dma_start3A_513 : memref<1x128x128xf32, #tpu.memory_space<vmem_shared>> -> memref<128x128xf32, #tpu.memory_space<vmem_shared>>
      %dma_start3A_515 = arith.constant 0 : i32
      %dma_start3A_516 = arith.constant 0 : i32
      %dma_start3A_517 = arith.constant 0 : i32
      %dma_start3A_518 = tpu.memref_slice %arg6[%arg1, %dma_start3A_515, %dma_start3A_516, %dma_start3A_517] : memref<16x2x128x128xf32, #tpu.memory_space<vmem_shared>> -> memref<1x2x128x128xf32, #tpu.memory_space<vmem_shared>>
      %dma_start3A_519 = tpu.memref_squeeze %dma_start3A_518 : memref<1x2x128x128xf32, #tpu.memory_space<vmem_shared>> -> memref<2x128x128xf32, #tpu.memory_space<vmem_shared>>
      %dma_start3A_520 = arith.constant 0 : i32
      %dma_start3A_521 = arith.constant 0 : i32
      %dma_start3A_522 = tpu.memref_slice %dma_start3A_519[%dma_start3A_505, %dma_start3A_520, %dma_start3A_521] : memref<2x128x128xf32, #tpu.memory_space<vmem_shared>> -> memref<1x128x128xf32, #tpu.memory_space<vmem_shared>>
      %dma_start3A_523 = tpu.memref_squeeze %dma_start3A_522 : memref<1x128x128xf32, #tpu.memory_space<vmem_shared>> -> memref<128x128xf32, #tpu.memory_space<vmem_shared>>
      tpu.enqueue_dma source(%arg8 : memref<128x128xf32, #tpu.memory_space<vmem>>) target(%dma_start3A_523 : memref<128x128xf32, #tpu.memory_space<vmem_shared>>) target_semaphore(%arg16 : memref<!tpu.dma_semaphore, #tpu.memory_space<semaphore_mem>>)
      %dma_wait3A_524 = arith.constant 1 : i32
      %dma_wait3A_525 = arith.constant 0 : i32
      %dma_wait3A_526 = arith.constant 0 : i32
      %dma_wait3A_527 = arith.constant 0 : i32
      %dma_wait3A_528 = tpu.memref_slice %arg6[%arg1, %dma_wait3A_525, %dma_wait3A_526, %dma_wait3A_527] : memref<16x2x128x128xf32, #tpu.memory_space<vmem_shared>> -> memref<1x2x128x128xf32, #tpu.memory_space<vmem_shared>>
      %dma_wait3A_529 = tpu.memref_squeeze %dma_wait3A_528 : memref<1x2x128x128xf32, #tpu.memory_space<vmem_shared>> -> memref<2x128x128xf32, #tpu.memory_space<vmem_shared>>
      %dma_wait3A_530 = arith.constant 0 : i32
      %dma_wait3A_531 = arith.constant 0 : i32
      %dma_wait3A_532 = tpu.memref_slice %dma_wait3A_529[%dma_wait3A_524, %dma_wait3A_530, %dma_wait3A_531] : memref<2x128x128xf32, #tpu.memory_space<vmem_shared>> -> memref<1x128x128xf32, #tpu.memory_space<vmem_shared>>
      %dma_wait3A_533 = tpu.memref_squeeze %dma_wait3A_532 : memref<1x128x128xf32, #tpu.memory_space<vmem_shared>> -> memref<128x128xf32, #tpu.memory_space<vmem_shared>>
      %dma_wait3A_534 = arith.constant 0 : i32
      %dma_wait3A_535 = arith.constant 0 : i32
      %dma_wait3A_536 = arith.constant 0 : i32
      %dma_wait3A_537 = tpu.memref_slice %arg6[%arg1, %dma_wait3A_534, %dma_wait3A_535, %dma_wait3A_536] : memref<16x2x128x128xf32, #tpu.memory_space<vmem_shared>> -> memref<1x2x128x128xf32, #tpu.memory_space<vmem_shared>>
      %dma_wait3A_538 = tpu.memref_squeeze %dma_wait3A_537 : memref<1x2x128x128xf32, #tpu.memory_space<vmem_shared>> -> memref<2x128x128xf32, #tpu.memory_space<vmem_shared>>
      %dma_wait3A_539 = arith.constant 0 : i32
      %dma_wait3A_540 = arith.constant 0 : i32
      %dma_wait3A_541 = tpu.memref_slice %dma_wait3A_538[%dma_wait3A_524, %dma_wait3A_539, %dma_wait3A_540] : memref<2x128x128xf32, #tpu.memory_space<vmem_shared>> -> memref<1x128x128xf32, #tpu.memory_space<vmem_shared>>
      %dma_wait3A_542 = tpu.memref_squeeze %dma_wait3A_541 : memref<1x128x128xf32, #tpu.memory_space<vmem_shared>> -> memref<128x128xf32, #tpu.memory_space<vmem_shared>>
      tpu.wait_dma2 semaphore(%arg16 : memref<!tpu.dma_semaphore, #tpu.memory_space<semaphore_mem>>) src(%arg8 : memref<128x128xf32, #tpu.memory_space<vmem>>) dst(%dma_wait3A_542 : memref<128x128xf32, #tpu.memory_space<vmem_shared>>)
      %add3A_543 = arith.addi %mul3A_2, %add3A_484 : i32
      %mul3A_544 = arith.constant 128 : i32
      %mul3A_545 = arith.muli %add3A_543, %mul3A_544 : i32
      %dma_start3A_546 = arith.constant 1 : i32
      %dma_start3A_547 = arith.constant 0 : i32
      %dma_start3A_548 = tpu.memref_slice %arg4[%mul3A_545, %dma_start3A_547] : memref<819200x128xf32, #tpu.memory_space<hbm>> -> memref<128x128xf32, #tpu.memory_space<hbm>>
      %dma_start3A_549 = arith.constant 0 : i32
      %dma_start3A_550 = arith.constant 0 : i32
      %dma_start3A_551 = arith.constant 0 : i32
      %dma_start3A_552 = tpu.memref_slice %arg6[%arg1, %dma_start3A_549, %dma_start3A_550, %dma_start3A_551] : memref<16x2x128x128xf32, #tpu.memory_space<vmem_shared>> -> memref<1x2x128x128xf32, #tpu.memory_space<vmem_shared>>
      %dma_start3A_553 = tpu.memref_squeeze %dma_start3A_552 : memref<1x2x128x128xf32, #tpu.memory_space<vmem_shared>> -> memref<2x128x128xf32, #tpu.memory_space<vmem_shared>>
      %dma_start3A_554 = arith.constant 0 : i32
      %dma_start3A_555 = arith.constant 0 : i32
      %dma_start3A_556 = tpu.memref_slice %dma_start3A_553[%dma_start3A_546, %dma_start3A_554, %dma_start3A_555] : memref<2x128x128xf32, #tpu.memory_space<vmem_shared>> -> memref<1x128x128xf32, #tpu.memory_space<vmem_shared>>
      %dma_start3A_557 = tpu.memref_squeeze %dma_start3A_556 : memref<1x128x128xf32, #tpu.memory_space<vmem_shared>> -> memref<128x128xf32, #tpu.memory_space<vmem_shared>>
      tpu.enqueue_dma source(%dma_start3A_557 : memref<128x128xf32, #tpu.memory_space<vmem_shared>>) target(%dma_start3A_548 : memref<128x128xf32, #tpu.memory_space<hbm>>) target_semaphore(%arg18 : memref<!tpu.dma_semaphore, #tpu.memory_space<semaphore_mem>>)
      %add3A_558 = arith.constant 4 : i32
      %add3A_559 = arith.addi %add3A_484, %add3A_558 : i32
      %min3A_560 = arith.constant 199 : i32
      %min3A_561 = arith.minsi %add3A_559, %min3A_560 : i32
      %dma_start3A_562 = arith.constant 0 : i32
      %dma_start3A_563 = tpu.memref_slice %arg5[%min3A_561, %dma_start3A_562] : memref<200x128xi32, #tpu.memory_space<vmem>> -> memref<1x128xi32, #tpu.memory_space<vmem>>
      %dma_start3A_564 = tpu.memref_squeeze %dma_start3A_563 : memref<1x128xi32, #tpu.memory_space<vmem>> -> memref<128xi32, #tpu.memory_space<vmem>>
      %dma_start3A_565 = arith.constant 0 : i32
      %dma_start3A_566 = arith.constant 0 : i32
      %dma_start3A_567 = tpu.memref_slice %arg3[%dma_start3A_565, %dma_start3A_566] : memref<100000x128xf32, #tpu.memory_space<hbm>> -> memref<100000x128xf32, #tpu.memory_space<hbm>>
      tpu.enqueue_indirect_dma source(%dma_start3A_567 : memref<100000x128xf32, #tpu.memory_space<hbm>>) target(%arg8 : memref<128x128xf32, #tpu.memory_space<vmem>>) offsets(%dma_start3A_564 : memref<128xi32, #tpu.memory_space<vmem>>) semaphore(%arg12 : memref<!tpu.dma_semaphore, #tpu.memory_space<semaphore_mem>>)
      %mul3A_568 = arith.constant 4 : i32
      %mul3A_569 = arith.muli %scan3A_390, %mul3A_568 : i32
      %add3A_570 = arith.constant 4 : i32
      %add3A_571 = arith.addi %add3A_570, %mul3A_569 : i32
      %add3A_572 = arith.constant 2 : i32
      %add3A_573 = arith.addi %add3A_571, %add3A_572 : i32
      %dma_wait3A_574 = arith.constant 0 : i32
      %dma_wait3A_575 = tpu.memref_slice %arg5[%add3A_573, %dma_wait3A_574] : memref<200x128xi32, #tpu.memory_space<vmem>> -> memref<1x128xi32, #tpu.memory_space<vmem>>
      %dma_wait3A_576 = tpu.memref_squeeze %dma_wait3A_575 : memref<1x128xi32, #tpu.memory_space<vmem>> -> memref<128xi32, #tpu.memory_space<vmem>>
      %dma_wait3A_577 = arith.constant 0 : i32
      %dma_wait3A_578 = arith.constant 0 : i32
      %dma_wait3A_579 = tpu.memref_slice %arg3[%dma_wait3A_577, %dma_wait3A_578] : memref<100000x128xf32, #tpu.memory_space<hbm>> -> memref<100000x128xf32, #tpu.memory_space<hbm>>
      tpu.wait_indirect_dma semaphore(%arg13 : memref<!tpu.dma_semaphore, #tpu.memory_space<semaphore_mem>>) src(%dma_wait3A_579 : memref<100000x128xf32, #tpu.memory_space<hbm>>) dst(%arg9 : memref<128x128xf32, #tpu.memory_space<vmem>>)
      %mul3A_580 = arith.constant 128 : i32
      %mul3A_581 = arith.muli %mul3A_2, %mul3A_580 : i32
      %dma_wait3A_582 = arith.constant 0 : i32
      %dma_wait3A_583 = arith.constant 0 : i32
      %dma_wait3A_584 = tpu.memref_slice %arg4[%mul3A_581, %dma_wait3A_583] : memref<819200x128xf32, #tpu.memory_space<hbm>> -> memref<128x128xf32, #tpu.memory_space<hbm>>
      %dma_wait3A_585 = arith.constant 0 : i32
      %dma_wait3A_586 = arith.constant 0 : i32
      %dma_wait3A_587 = arith.constant 0 : i32
      %dma_wait3A_588 = tpu.memref_slice %arg6[%arg1, %dma_wait3A_585, %dma_wait3A_586, %dma_wait3A_587] : memref<16x2x128x128xf32, #tpu.memory_space<vmem_shared>> -> memref<1x2x128x128xf32, #tpu.memory_space<vmem_shared>>
      %dma_wait3A_589 = tpu.memref_squeeze %dma_wait3A_588 : memref<1x2x128x128xf32, #tpu.memory_space<vmem_shared>> -> memref<2x128x128xf32, #tpu.memory_space<vmem_shared>>
      %dma_wait3A_590 = arith.constant 0 : i32
      %dma_wait3A_591 = arith.constant 0 : i32
      %dma_wait3A_592 = tpu.memref_slice %dma_wait3A_589[%dma_wait3A_582, %dma_wait3A_590, %dma_wait3A_591] : memref<2x128x128xf32, #tpu.memory_space<vmem_shared>> -> memref<1x128x128xf32, #tpu.memory_space<vmem_shared>>
      %dma_wait3A_593 = tpu.memref_squeeze %dma_wait3A_592 : memref<1x128x128xf32, #tpu.memory_space<vmem_shared>> -> memref<128x128xf32, #tpu.memory_space<vmem_shared>>
      tpu.wait_dma2 semaphore(%arg17 : memref<!tpu.dma_semaphore, #tpu.memory_space<semaphore_mem>>) src(%dma_wait3A_593 : memref<128x128xf32, #tpu.memory_space<vmem_shared>>) dst(%dma_wait3A_584 : memref<128x128xf32, #tpu.memory_space<hbm>>)
      %dma_start3A_594 = arith.constant 0 : i32
      %dma_start3A_595 = arith.constant 0 : i32
      %dma_start3A_596 = arith.constant 0 : i32
      %dma_start3A_597 = arith.constant 0 : i32
      %dma_start3A_598 = tpu.memref_slice %arg6[%arg1, %dma_start3A_595, %dma_start3A_596, %dma_start3A_597] : memref<16x2x128x128xf32, #tpu.memory_space<vmem_shared>> -> memref<1x2x128x128xf32, #tpu.memory_space<vmem_shared>>
      %dma_start3A_599 = tpu.memref_squeeze %dma_start3A_598 : memref<1x2x128x128xf32, #tpu.memory_space<vmem_shared>> -> memref<2x128x128xf32, #tpu.memory_space<vmem_shared>>
      %dma_start3A_600 = arith.constant 0 : i32
      %dma_start3A_601 = arith.constant 0 : i32
      %dma_start3A_602 = tpu.memref_slice %dma_start3A_599[%dma_start3A_594, %dma_start3A_600, %dma_start3A_601] : memref<2x128x128xf32, #tpu.memory_space<vmem_shared>> -> memref<1x128x128xf32, #tpu.memory_space<vmem_shared>>
      %dma_start3A_603 = tpu.memref_squeeze %dma_start3A_602 : memref<1x128x128xf32, #tpu.memory_space<vmem_shared>> -> memref<128x128xf32, #tpu.memory_space<vmem_shared>>
      %dma_start3A_604 = arith.constant 0 : i32
      %dma_start3A_605 = arith.constant 0 : i32
      %dma_start3A_606 = arith.constant 0 : i32
      %dma_start3A_607 = tpu.memref_slice %arg6[%arg1, %dma_start3A_604, %dma_start3A_605, %dma_start3A_606] : memref<16x2x128x128xf32, #tpu.memory_space<vmem_shared>> -> memref<1x2x128x128xf32, #tpu.memory_space<vmem_shared>>
      %dma_start3A_608 = tpu.memref_squeeze %dma_start3A_607 : memref<1x2x128x128xf32, #tpu.memory_space<vmem_shared>> -> memref<2x128x128xf32, #tpu.memory_space<vmem_shared>>
      %dma_start3A_609 = arith.constant 0 : i32
      %dma_start3A_610 = arith.constant 0 : i32
      %dma_start3A_611 = tpu.memref_slice %dma_start3A_608[%dma_start3A_594, %dma_start3A_609, %dma_start3A_610] : memref<2x128x128xf32, #tpu.memory_space<vmem_shared>> -> memref<1x128x128xf32, #tpu.memory_space<vmem_shared>>
      %dma_start3A_612 = tpu.memref_squeeze %dma_start3A_611 : memref<1x128x128xf32, #tpu.memory_space<vmem_shared>> -> memref<128x128xf32, #tpu.memory_space<vmem_shared>>
      tpu.enqueue_dma source(%arg9 : memref<128x128xf32, #tpu.memory_space<vmem>>) target(%dma_start3A_612 : memref<128x128xf32, #tpu.memory_space<vmem_shared>>) target_semaphore(%arg15 : memref<!tpu.dma_semaphore, #tpu.memory_space<semaphore_mem>>)
      %dma_wait3A_613 = arith.constant 0 : i32
      %dma_wait3A_614 = arith.constant 0 : i32
      %dma_wait3A_615 = arith.constant 0 : i32
      %dma_wait3A_616 = arith.constant 0 : i32
      %dma_wait3A_617 = tpu.memref_slice %arg6[%arg1, %dma_wait3A_614, %dma_wait3A_615, %dma_wait3A_616] : memref<16x2x128x128xf32, #tpu.memory_space<vmem_shared>> -> memref<1x2x128x128xf32, #tpu.memory_space<vmem_shared>>
      %dma_wait3A_618 = tpu.memref_squeeze %dma_wait3A_617 : memref<1x2x128x128xf32, #tpu.memory_space<vmem_shared>> -> memref<2x128x128xf32, #tpu.memory_space<vmem_shared>>
      %dma_wait3A_619 = arith.constant 0 : i32
      %dma_wait3A_620 = arith.constant 0 : i32
      %dma_wait3A_621 = tpu.memref_slice %dma_wait3A_618[%dma_wait3A_613, %dma_wait3A_619, %dma_wait3A_620] : memref<2x128x128xf32, #tpu.memory_space<vmem_shared>> -> memref<1x128x128xf32, #tpu.memory_space<vmem_shared>>
      %dma_wait3A_622 = tpu.memref_squeeze %dma_wait3A_621 : memref<1x128x128xf32, #tpu.memory_space<vmem_shared>> -> memref<128x128xf32, #tpu.memory_space<vmem_shared>>
      %dma_wait3A_623 = arith.constant 0 : i32
      %dma_wait3A_624 = arith.constant 0 : i32
      %dma_wait3A_625 = arith.constant 0 : i32
      %dma_wait3A_626 = tpu.memref_slice %arg6[%arg1, %dma_wait3A_623, %dma_wait3A_624, %dma_wait3A_625] : memref<16x2x128x128xf32, #tpu.memory_space<vmem_shared>> -> memref<1x2x128x128xf32, #tpu.memory_space<vmem_shared>>
      %dma_wait3A_627 = tpu.memref_squeeze %dma_wait3A_626 : memref<1x2x128x128xf32, #tpu.memory_space<vmem_shared>> -> memref<2x128x128xf32, #tpu.memory_space<vmem_shared>>
      %dma_wait3A_628 = arith.constant 0 : i32
      %dma_wait3A_629 = arith.constant 0 : i32
      %dma_wait3A_630 = tpu.memref_slice %dma_wait3A_627[%dma_wait3A_613, %dma_wait3A_628, %dma_wait3A_629] : memref<2x128x128xf32, #tpu.memory_space<vmem_shared>> -> memref<1x128x128xf32, #tpu.memory_space<vmem_shared>>
      %dma_wait3A_631 = tpu.memref_squeeze %dma_wait3A_630 : memref<1x128x128xf32, #tpu.memory_space<vmem_shared>> -> memref<128x128xf32, #tpu.memory_space<vmem_shared>>
      tpu.wait_dma2 semaphore(%arg15 : memref<!tpu.dma_semaphore, #tpu.memory_space<semaphore_mem>>) src(%arg9 : memref<128x128xf32, #tpu.memory_space<vmem>>) dst(%dma_wait3A_631 : memref<128x128xf32, #tpu.memory_space<vmem_shared>>)
      %add3A_632 = arith.addi %mul3A_2, %add3A_573 : i32
      %mul3A_633 = arith.constant 128 : i32
      %mul3A_634 = arith.muli %add3A_632, %mul3A_633 : i32
      %dma_start3A_635 = arith.constant 0 : i32
      %dma_start3A_636 = arith.constant 0 : i32
      %dma_start3A_637 = tpu.memref_slice %arg4[%mul3A_634, %dma_start3A_636] : memref<819200x128xf32, #tpu.memory_space<hbm>> -> memref<128x128xf32, #tpu.memory_space<hbm>>
      %dma_start3A_638 = arith.constant 0 : i32
      %dma_start3A_639 = arith.constant 0 : i32
      %dma_start3A_640 = arith.constant 0 : i32
      %dma_start3A_641 = tpu.memref_slice %arg6[%arg1, %dma_start3A_638, %dma_start3A_639, %dma_start3A_640] : memref<16x2x128x128xf32, #tpu.memory_space<vmem_shared>> -> memref<1x2x128x128xf32, #tpu.memory_space<vmem_shared>>
      %dma_start3A_642 = tpu.memref_squeeze %dma_start3A_641 : memref<1x2x128x128xf32, #tpu.memory_space<vmem_shared>> -> memref<2x128x128xf32, #tpu.memory_space<vmem_shared>>
      %dma_start3A_643 = arith.constant 0 : i32
      %dma_start3A_644 = arith.constant 0 : i32
      %dma_start3A_645 = tpu.memref_slice %dma_start3A_642[%dma_start3A_635, %dma_start3A_643, %dma_start3A_644] : memref<2x128x128xf32, #tpu.memory_space<vmem_shared>> -> memref<1x128x128xf32, #tpu.memory_space<vmem_shared>>
      %dma_start3A_646 = tpu.memref_squeeze %dma_start3A_645 : memref<1x128x128xf32, #tpu.memory_space<vmem_shared>> -> memref<128x128xf32, #tpu.memory_space<vmem_shared>>
      tpu.enqueue_dma source(%dma_start3A_646 : memref<128x128xf32, #tpu.memory_space<vmem_shared>>) target(%dma_start3A_637 : memref<128x128xf32, #tpu.memory_space<hbm>>) target_semaphore(%arg17 : memref<!tpu.dma_semaphore, #tpu.memory_space<semaphore_mem>>)
      %add3A_647 = arith.constant 4 : i32
      %add3A_648 = arith.addi %add3A_573, %add3A_647 : i32
      %min3A_649 = arith.constant 199 : i32
      %min3A_650 = arith.minsi %add3A_648, %min3A_649 : i32
      %dma_start3A_651 = arith.constant 0 : i32
      %dma_start3A_652 = tpu.memref_slice %arg5[%min3A_650, %dma_start3A_651] : memref<200x128xi32, #tpu.memory_space<vmem>> -> memref<1x128xi32, #tpu.memory_space<vmem>>
      %dma_start3A_653 = tpu.memref_squeeze %dma_start3A_652 : memref<1x128xi32, #tpu.memory_space<vmem>> -> memref<128xi32, #tpu.memory_space<vmem>>
      %dma_start3A_654 = arith.constant 0 : i32
      %dma_start3A_655 = arith.constant 0 : i32
      %dma_start3A_656 = tpu.memref_slice %arg3[%dma_start3A_654, %dma_start3A_655] : memref<100000x128xf32, #tpu.memory_space<hbm>> -> memref<100000x128xf32, #tpu.memory_space<hbm>>
      tpu.enqueue_indirect_dma source(%dma_start3A_656 : memref<100000x128xf32, #tpu.memory_space<hbm>>) target(%arg9 : memref<128x128xf32, #tpu.memory_space<vmem>>) offsets(%dma_start3A_653 : memref<128xi32, #tpu.memory_space<vmem>>) semaphore(%arg13 : memref<!tpu.dma_semaphore, #tpu.memory_space<semaphore_mem>>)
      %mul3A_657 = arith.constant 4 : i32
      %mul3A_658 = arith.muli %scan3A_390, %mul3A_657 : i32
      %add3A_659 = arith.constant 4 : i32
      %add3A_660 = arith.addi %add3A_659, %mul3A_658 : i32
      %add3A_661 = arith.constant 3 : i32
      %add3A_662 = arith.addi %add3A_660, %add3A_661 : i32
      %dma_wait3A_663 = arith.constant 0 : i32
      %dma_wait3A_664 = tpu.memref_slice %arg5[%add3A_662, %dma_wait3A_663] : memref<200x128xi32, #tpu.memory_space<vmem>> -> memref<1x128xi32, #tpu.memory_space<vmem>>
      %dma_wait3A_665 = tpu.memref_squeeze %dma_wait3A_664 : memref<1x128xi32, #tpu.memory_space<vmem>> -> memref<128xi32, #tpu.memory_space<vmem>>
      %dma_wait3A_666 = arith.constant 0 : i32
      %dma_wait3A_667 = arith.constant 0 : i32
      %dma_wait3A_668 = tpu.memref_slice %arg3[%dma_wait3A_666, %dma_wait3A_667] : memref<100000x128xf32, #tpu.memory_space<hbm>> -> memref<100000x128xf32, #tpu.memory_space<hbm>>
      tpu.wait_indirect_dma semaphore(%arg14 : memref<!tpu.dma_semaphore, #tpu.memory_space<semaphore_mem>>) src(%dma_wait3A_668 : memref<100000x128xf32, #tpu.memory_space<hbm>>) dst(%arg10 : memref<128x128xf32, #tpu.memory_space<vmem>>)
      %mul3A_669 = arith.constant 128 : i32
      %mul3A_670 = arith.muli %mul3A_2, %mul3A_669 : i32
      %dma_wait3A_671 = arith.constant 1 : i32
      %dma_wait3A_672 = arith.constant 0 : i32
      %dma_wait3A_673 = tpu.memref_slice %arg4[%mul3A_670, %dma_wait3A_672] : memref<819200x128xf32, #tpu.memory_space<hbm>> -> memref<128x128xf32, #tpu.memory_space<hbm>>
      %dma_wait3A_674 = arith.constant 0 : i32
      %dma_wait3A_675 = arith.constant 0 : i32
      %dma_wait3A_676 = arith.constant 0 : i32
      %dma_wait3A_677 = tpu.memref_slice %arg6[%arg1, %dma_wait3A_674, %dma_wait3A_675, %dma_wait3A_676] : memref<16x2x128x128xf32, #tpu.memory_space<vmem_shared>> -> memref<1x2x128x128xf32, #tpu.memory_space<vmem_shared>>
      %dma_wait3A_678 = tpu.memref_squeeze %dma_wait3A_677 : memref<1x2x128x128xf32, #tpu.memory_space<vmem_shared>> -> memref<2x128x128xf32, #tpu.memory_space<vmem_shared>>
      %dma_wait3A_679 = arith.constant 0 : i32
      %dma_wait3A_680 = arith.constant 0 : i32
      %dma_wait3A_681 = tpu.memref_slice %dma_wait3A_678[%dma_wait3A_671, %dma_wait3A_679, %dma_wait3A_680] : memref<2x128x128xf32, #tpu.memory_space<vmem_shared>> -> memref<1x128x128xf32, #tpu.memory_space<vmem_shared>>
      %dma_wait3A_682 = tpu.memref_squeeze %dma_wait3A_681 : memref<1x128x128xf32, #tpu.memory_space<vmem_shared>> -> memref<128x128xf32, #tpu.memory_space<vmem_shared>>
      tpu.wait_dma2 semaphore(%arg18 : memref<!tpu.dma_semaphore, #tpu.memory_space<semaphore_mem>>) src(%dma_wait3A_682 : memref<128x128xf32, #tpu.memory_space<vmem_shared>>) dst(%dma_wait3A_673 : memref<128x128xf32, #tpu.memory_space<hbm>>)
      %dma_start3A_683 = arith.constant 1 : i32
      %dma_start3A_684 = arith.constant 0 : i32
      %dma_start3A_685 = arith.constant 0 : i32
      %dma_start3A_686 = arith.constant 0 : i32
      %dma_start3A_687 = tpu.memref_slice %arg6[%arg1, %dma_start3A_684, %dma_start3A_685, %dma_start3A_686] : memref<16x2x128x128xf32, #tpu.memory_space<vmem_shared>> -> memref<1x2x128x128xf32, #tpu.memory_space<vmem_shared>>
      %dma_start3A_688 = tpu.memref_squeeze %dma_start3A_687 : memref<1x2x128x128xf32, #tpu.memory_space<vmem_shared>> -> memref<2x128x128xf32, #tpu.memory_space<vmem_shared>>
      %dma_start3A_689 = arith.constant 0 : i32
      %dma_start3A_690 = arith.constant 0 : i32
      %dma_start3A_691 = tpu.memref_slice %dma_start3A_688[%dma_start3A_683, %dma_start3A_689, %dma_start3A_690] : memref<2x128x128xf32, #tpu.memory_space<vmem_shared>> -> memref<1x128x128xf32, #tpu.memory_space<vmem_shared>>
      %dma_start3A_692 = tpu.memref_squeeze %dma_start3A_691 : memref<1x128x128xf32, #tpu.memory_space<vmem_shared>> -> memref<128x128xf32, #tpu.memory_space<vmem_shared>>
      %dma_start3A_693 = arith.constant 0 : i32
      %dma_start3A_694 = arith.constant 0 : i32
      %dma_start3A_695 = arith.constant 0 : i32
      %dma_start3A_696 = tpu.memref_slice %arg6[%arg1, %dma_start3A_693, %dma_start3A_694, %dma_start3A_695] : memref<16x2x128x128xf32, #tpu.memory_space<vmem_shared>> -> memref<1x2x128x128xf32, #tpu.memory_space<vmem_shared>>
      %dma_start3A_697 = tpu.memref_squeeze %dma_start3A_696 : memref<1x2x128x128xf32, #tpu.memory_space<vmem_shared>> -> memref<2x128x128xf32, #tpu.memory_space<vmem_shared>>
      %dma_start3A_698 = arith.constant 0 : i32
      %dma_start3A_699 = arith.constant 0 : i32
      %dma_start3A_700 = tpu.memref_slice %dma_start3A_697[%dma_start3A_683, %dma_start3A_698, %dma_start3A_699] : memref<2x128x128xf32, #tpu.memory_space<vmem_shared>> -> memref<1x128x128xf32, #tpu.memory_space<vmem_shared>>
      %dma_start3A_701 = tpu.memref_squeeze %dma_start3A_700 : memref<1x128x128xf32, #tpu.memory_space<vmem_shared>> -> memref<128x128xf32, #tpu.memory_space<vmem_shared>>
      tpu.enqueue_dma source(%arg10 : memref<128x128xf32, #tpu.memory_space<vmem>>) target(%dma_start3A_701 : memref<128x128xf32, #tpu.memory_space<vmem_shared>>) target_semaphore(%arg16 : memref<!tpu.dma_semaphore, #tpu.memory_space<semaphore_mem>>)
      %dma_wait3A_702 = arith.constant 1 : i32
      %dma_wait3A_703 = arith.constant 0 : i32
      %dma_wait3A_704 = arith.constant 0 : i32
      %dma_wait3A_705 = arith.constant 0 : i32
      %dma_wait3A_706 = tpu.memref_slice %arg6[%arg1, %dma_wait3A_703, %dma_wait3A_704, %dma_wait3A_705] : memref<16x2x128x128xf32, #tpu.memory_space<vmem_shared>> -> memref<1x2x128x128xf32, #tpu.memory_space<vmem_shared>>
      %dma_wait3A_707 = tpu.memref_squeeze %dma_wait3A_706 : memref<1x2x128x128xf32, #tpu.memory_space<vmem_shared>> -> memref<2x128x128xf32, #tpu.memory_space<vmem_shared>>
      %dma_wait3A_708 = arith.constant 0 : i32
      %dma_wait3A_709 = arith.constant 0 : i32
      %dma_wait3A_710 = tpu.memref_slice %dma_wait3A_707[%dma_wait3A_702, %dma_wait3A_708, %dma_wait3A_709] : memref<2x128x128xf32, #tpu.memory_space<vmem_shared>> -> memref<1x128x128xf32, #tpu.memory_space<vmem_shared>>
      %dma_wait3A_711 = tpu.memref_squeeze %dma_wait3A_710 : memref<1x128x128xf32, #tpu.memory_space<vmem_shared>> -> memref<128x128xf32, #tpu.memory_space<vmem_shared>>
      %dma_wait3A_712 = arith.constant 0 : i32
      %dma_wait3A_713 = arith.constant 0 : i32
      %dma_wait3A_714 = arith.constant 0 : i32
      %dma_wait3A_715 = tpu.memref_slice %arg6[%arg1, %dma_wait3A_712, %dma_wait3A_713, %dma_wait3A_714] : memref<16x2x128x128xf32, #tpu.memory_space<vmem_shared>> -> memref<1x2x128x128xf32, #tpu.memory_space<vmem_shared>>
      %dma_wait3A_716 = tpu.memref_squeeze %dma_wait3A_715 : memref<1x2x128x128xf32, #tpu.memory_space<vmem_shared>> -> memref<2x128x128xf32, #tpu.memory_space<vmem_shared>>
      %dma_wait3A_717 = arith.constant 0 : i32
      %dma_wait3A_718 = arith.constant 0 : i32
      %dma_wait3A_719 = tpu.memref_slice %dma_wait3A_716[%dma_wait3A_702, %dma_wait3A_717, %dma_wait3A_718] : memref<2x128x128xf32, #tpu.memory_space<vmem_shared>> -> memref<1x128x128xf32, #tpu.memory_space<vmem_shared>>
      %dma_wait3A_720 = tpu.memref_squeeze %dma_wait3A_719 : memref<1x128x128xf32, #tpu.memory_space<vmem_shared>> -> memref<128x128xf32, #tpu.memory_space<vmem_shared>>
      tpu.wait_dma2 semaphore(%arg16 : memref<!tpu.dma_semaphore, #tpu.memory_space<semaphore_mem>>) src(%arg10 : memref<128x128xf32, #tpu.memory_space<vmem>>) dst(%dma_wait3A_720 : memref<128x128xf32, #tpu.memory_space<vmem_shared>>)
      %add3A_721 = arith.addi %mul3A_2, %add3A_662 : i32
      %mul3A_722 = arith.constant 128 : i32
      %mul3A_723 = arith.muli %add3A_721, %mul3A_722 : i32
      %dma_start3A_724 = arith.constant 1 : i32
      %dma_start3A_725 = arith.constant 0 : i32
      %dma_start3A_726 = tpu.memref_slice %arg4[%mul3A_723, %dma_start3A_725] : memref<819200x128xf32, #tpu.memory_space<hbm>> -> memref<128x128xf32, #tpu.memory_space<hbm>>
      %dma_start3A_727 = arith.constant 0 : i32
      %dma_start3A_728 = arith.constant 0 : i32
      %dma_start3A_729 = arith.constant 0 : i32
      %dma_start3A_730 = tpu.memref_slice %arg6[%arg1, %dma_start3A_727, %dma_start3A_728, %dma_start3A_729] : memref<16x2x128x128xf32, #tpu.memory_space<vmem_shared>> -> memref<1x2x128x128xf32, #tpu.memory_space<vmem_shared>>
      %dma_start3A_731 = tpu.memref_squeeze %dma_start3A_730 : memref<1x2x128x128xf32, #tpu.memory_space<vmem_shared>> -> memref<2x128x128xf32, #tpu.memory_space<vmem_shared>>
      %dma_start3A_732 = arith.constant 0 : i32
      %dma_start3A_733 = arith.constant 0 : i32
      %dma_start3A_734 = tpu.memref_slice %dma_start3A_731[%dma_start3A_724, %dma_start3A_732, %dma_start3A_733] : memref<2x128x128xf32, #tpu.memory_space<vmem_shared>> -> memref<1x128x128xf32, #tpu.memory_space<vmem_shared>>
      %dma_start3A_735 = tpu.memref_squeeze %dma_start3A_734 : memref<1x128x128xf32, #tpu.memory_space<vmem_shared>> -> memref<128x128xf32, #tpu.memory_space<vmem_shared>>
      tpu.enqueue_dma source(%dma_start3A_735 : memref<128x128xf32, #tpu.memory_space<vmem_shared>>) target(%dma_start3A_726 : memref<128x128xf32, #tpu.memory_space<hbm>>) target_semaphore(%arg18 : memref<!tpu.dma_semaphore, #tpu.memory_space<semaphore_mem>>)
      %add3A_736 = arith.constant 4 : i32
      %add3A_737 = arith.addi %add3A_662, %add3A_736 : i32
      %min3A_738 = arith.constant 199 : i32
      %min3A_739 = arith.minsi %add3A_737, %min3A_738 : i32
      %dma_start3A_740 = arith.constant 0 : i32
      %dma_start3A_741 = tpu.memref_slice %arg5[%min3A_739, %dma_start3A_740] : memref<200x128xi32, #tpu.memory_space<vmem>> -> memref<1x128xi32, #tpu.memory_space<vmem>>
      %dma_start3A_742 = tpu.memref_squeeze %dma_start3A_741 : memref<1x128xi32, #tpu.memory_space<vmem>> -> memref<128xi32, #tpu.memory_space<vmem>>
      %dma_start3A_743 = arith.constant 0 : i32
      %dma_start3A_744 = arith.constant 0 : i32
      %dma_start3A_745 = tpu.memref_slice %arg3[%dma_start3A_743, %dma_start3A_744] : memref<100000x128xf32, #tpu.memory_space<hbm>> -> memref<100000x128xf32, #tpu.memory_space<hbm>>
      tpu.enqueue_indirect_dma source(%dma_start3A_745 : memref<100000x128xf32, #tpu.memory_space<hbm>>) target(%arg10 : memref<128x128xf32, #tpu.memory_space<vmem>>) offsets(%dma_start3A_742 : memref<128xi32, #tpu.memory_space<vmem>>) semaphore(%arg14 : memref<!tpu.dma_semaphore, #tpu.memory_space<semaphore_mem>>)
    }
    %scan3A_333 = arith.constant 49 : i32
    %dma_wait3A_334 = arith.constant 0 : i32
    %dma_wait3A_335 = arith.constant 0 : i32
    %dma_wait3A_336 = tpu.memref_slice %arg5[%dma_wait3A_334, %dma_wait3A_335] : memref<200x128xi32, #tpu.memory_space<vmem>> -> memref<1x128xi32, #tpu.memory_space<vmem>>
    %dma_wait3A_337 = tpu.memref_squeeze %dma_wait3A_336 : memref<1x128xi32, #tpu.memory_space<vmem>> -> memref<128xi32, #tpu.memory_space<vmem>>
    %dma_wait3A_338 = arith.constant 0 : i32
    %dma_wait3A_339 = arith.constant 0 : i32
    %dma_wait3A_340 = tpu.memref_slice %arg3[%dma_wait3A_338, %dma_wait3A_339] : memref<100000x128xf32, #tpu.memory_space<hbm>> -> memref<100000x128xf32, #tpu.memory_space<hbm>>
    tpu.wait_indirect_dma semaphore(%arg11 : memref<!tpu.dma_semaphore, #tpu.memory_space<semaphore_mem>>) src(%dma_wait3A_340 : memref<100000x128xf32, #tpu.memory_space<hbm>>) dst(%arg7 : memref<128x128xf32, #tpu.memory_space<vmem>>)
    %dma_wait3A_341 = arith.constant 0 : i32
    %dma_wait3A_342 = arith.constant 0 : i32
    %dma_wait3A_343 = tpu.memref_slice %arg5[%dma_wait3A_341, %dma_wait3A_342] : memref<200x128xi32, #tpu.memory_space<vmem>> -> memref<1x128xi32, #tpu.memory_space<vmem>>
    %dma_wait3A_344 = tpu.memref_squeeze %dma_wait3A_343 : memref<1x128xi32, #tpu.memory_space<vmem>> -> memref<128xi32, #tpu.memory_space<vmem>>
    %dma_wait3A_345 = arith.constant 0 : i32
    %dma_wait3A_346 = arith.constant 0 : i32
    %dma_wait3A_347 = tpu.memref_slice %arg3[%dma_wait3A_345, %dma_wait3A_346] : memref<100000x128xf32, #tpu.memory_space<hbm>> -> memref<100000x128xf32, #tpu.memory_space<hbm>>
    tpu.wait_indirect_dma semaphore(%arg12 : memref<!tpu.dma_semaphore, #tpu.memory_space<semaphore_mem>>) src(%dma_wait3A_347 : memref<100000x128xf32, #tpu.memory_space<hbm>>) dst(%arg8 : memref<128x128xf32, #tpu.memory_space<vmem>>)
    %dma_wait3A_348 = arith.constant 0 : i32
    %dma_wait3A_349 = arith.constant 0 : i32
    %dma_wait3A_350 = tpu.memref_slice %arg5[%dma_wait3A_348, %dma_wait3A_349] : memref<200x128xi32, #tpu.memory_space<vmem>> -> memref<1x128xi32, #tpu.memory_space<vmem>>
    %dma_wait3A_351 = tpu.memref_squeeze %dma_wait3A_350 : memref<1x128xi32, #tpu.memory_space<vmem>> -> memref<128xi32, #tpu.memory_space<vmem>>
    %dma_wait3A_352 = arith.constant 0 : i32
    %dma_wait3A_353 = arith.constant 0 : i32
    %dma_wait3A_354 = tpu.memref_slice %arg3[%dma_wait3A_352, %dma_wait3A_353] : memref<100000x128xf32, #tpu.memory_space<hbm>> -> memref<100000x128xf32, #tpu.memory_space<hbm>>
    tpu.wait_indirect_dma semaphore(%arg13 : memref<!tpu.dma_semaphore, #tpu.memory_space<semaphore_mem>>) src(%dma_wait3A_354 : memref<100000x128xf32, #tpu.memory_space<hbm>>) dst(%arg9 : memref<128x128xf32, #tpu.memory_space<vmem>>)
    %dma_wait3A_355 = arith.constant 0 : i32
    %dma_wait3A_356 = arith.constant 0 : i32
    %dma_wait3A_357 = tpu.memref_slice %arg5[%dma_wait3A_355, %dma_wait3A_356] : memref<200x128xi32, #tpu.memory_space<vmem>> -> memref<1x128xi32, #tpu.memory_space<vmem>>
    %dma_wait3A_358 = tpu.memref_squeeze %dma_wait3A_357 : memref<1x128xi32, #tpu.memory_space<vmem>> -> memref<128xi32, #tpu.memory_space<vmem>>
    %dma_wait3A_359 = arith.constant 0 : i32
    %dma_wait3A_360 = arith.constant 0 : i32
    %dma_wait3A_361 = tpu.memref_slice %arg3[%dma_wait3A_359, %dma_wait3A_360] : memref<100000x128xf32, #tpu.memory_space<hbm>> -> memref<100000x128xf32, #tpu.memory_space<hbm>>
    tpu.wait_indirect_dma semaphore(%arg14 : memref<!tpu.dma_semaphore, #tpu.memory_space<semaphore_mem>>) src(%dma_wait3A_361 : memref<100000x128xf32, #tpu.memory_space<hbm>>) dst(%arg10 : memref<128x128xf32, #tpu.memory_space<vmem>>)
    %mul3A_362 = arith.constant 128 : i32
    %mul3A_363 = arith.muli %mul3A_2, %mul3A_362 : i32
    %dma_wait3A_364 = arith.constant 0 : i32
    %dma_wait3A_365 = arith.constant 0 : i32
    %dma_wait3A_366 = tpu.memref_slice %arg4[%mul3A_363, %dma_wait3A_365] : memref<819200x128xf32, #tpu.memory_space<hbm>> -> memref<128x128xf32, #tpu.memory_space<hbm>>
    %dma_wait3A_367 = arith.constant 0 : i32
    %dma_wait3A_368 = arith.constant 0 : i32
    %dma_wait3A_369 = arith.constant 0 : i32
    %dma_wait3A_370 = tpu.memref_slice %arg6[%arg1, %dma_wait3A_367, %dma_wait3A_368, %dma_wait3A_369] : memref<16x2x128x128xf32, #tpu.memory_space<vmem_shared>> -> memref<1x2x128x128xf32, #tpu.memory_space<vmem_shared>>
    %dma_wait3A_371 = tpu.memref_squeeze %dma_wait3A_370 : memref<1x2x128x128xf32, #tpu.memory_space<vmem_shared>> -> memref<2x128x128xf32, #tpu.memory_space<vmem_shared>>
    %dma_wait3A_372 = arith.constant 0 : i32
    %dma_wait3A_373 = arith.constant 0 : i32
    %dma_wait3A_374 = tpu.memref_slice %dma_wait3A_371[%dma_wait3A_364, %dma_wait3A_372, %dma_wait3A_373] : memref<2x128x128xf32, #tpu.memory_space<vmem_shared>> -> memref<1x128x128xf32, #tpu.memory_space<vmem_shared>>
    %dma_wait3A_375 = tpu.memref_squeeze %dma_wait3A_374 : memref<1x128x128xf32, #tpu.memory_space<vmem_shared>> -> memref<128x128xf32, #tpu.memory_space<vmem_shared>>
    tpu.wait_dma2 semaphore(%arg17 : memref<!tpu.dma_semaphore, #tpu.memory_space<semaphore_mem>>) src(%dma_wait3A_375 : memref<128x128xf32, #tpu.memory_space<vmem_shared>>) dst(%dma_wait3A_366 : memref<128x128xf32, #tpu.memory_space<hbm>>)
    %mul3A_376 = arith.constant 128 : i32
    %mul3A_377 = arith.muli %mul3A_2, %mul3A_376 : i32
    %dma_wait3A_378 = arith.constant 1 : i32
    %dma_wait3A_379 = arith.constant 0 : i32
    %dma_wait3A_380 = tpu.memref_slice %arg4[%mul3A_377, %dma_wait3A_379] : memref<819200x128xf32, #tpu.memory_space<hbm>> -> memref<128x128xf32, #tpu.memory_space<hbm>>
    %dma_wait3A_381 = arith.constant 0 : i32
    %dma_wait3A_382 = arith.constant 0 : i32
    %dma_wait3A_383 = arith.constant 0 : i32
    %dma_wait3A_384 = tpu.memref_slice %arg6[%arg1, %dma_wait3A_381, %dma_wait3A_382, %dma_wait3A_383] : memref<16x2x128x128xf32, #tpu.memory_space<vmem_shared>> -> memref<1x2x128x128xf32, #tpu.memory_space<vmem_shared>>
    %dma_wait3A_385 = tpu.memref_squeeze %dma_wait3A_384 : memref<1x2x128x128xf32, #tpu.memory_space<vmem_shared>> -> memref<2x128x128xf32, #tpu.memory_space<vmem_shared>>
    %dma_wait3A_386 = arith.constant 0 : i32
    %dma_wait3A_387 = arith.constant 0 : i32
    %dma_wait3A_388 = tpu.memref_slice %dma_wait3A_385[%dma_wait3A_378, %dma_wait3A_386, %dma_wait3A_387] : memref<2x128x128xf32, #tpu.memory_space<vmem_shared>> -> memref<1x128x128xf32, #tpu.memory_space<vmem_shared>>
    %dma_wait3A_389 = tpu.memref_squeeze %dma_wait3A_388 : memref<1x128x128xf32, #tpu.memory_space<vmem_shared>> -> memref<128x128xf32, #tpu.memory_space<vmem_shared>>
    tpu.wait_dma2 semaphore(%arg18 : memref<!tpu.dma_semaphore, #tpu.memory_space<semaphore_mem>>) src(%dma_wait3A_389 : memref<128x128xf32, #tpu.memory_space<vmem_shared>>) dst(%dma_wait3A_380 : memref<128x128xf32, #tpu.memory_space<hbm>>)
    return
  }
}

</mosaic_0001>

<sc_bundles>
// kernel: kernel.3.cloned.1.call-start
scs
__scs_entry_jumppad:
0x0: {  	(pc) =	sbr.rel $0x88, $3  }
0x1: {  	(tag) =	ssettag $0x0;
	lr =	simm.s32 $0x1  }
0x2: {  	[smem:$0x3F9F] =	sst lr;
	_ =	strace $0xD0000000  }
0x3: {  	_ = 	snop  }
0x4: {  	_ = 	snop  }
0x5: {  	_ = 	snop  }
0x6: {  	_ = 	snop  }
0x7: {  	_ = 	snop  }
__scs_overlays_trampoline_lowered:
0x8: {  	[smem:$0x3FAE] =	sst s0  }
0x9: {  	[smem:$0x3FAF] =	sst s1  }
0xa: {  	[smem:$0x3FB0] =	sst s2  }
0xb: {  	[smem:$0x3FB1] =	sst s3  }
0xc: {  	[smem:$0x3FB2] =	sst s4  }
0xd: {  	[smem:$0x3FB3] =	sst s5  }
0xe: {  	[smem:$0x3FB4] =	sst s6  }
0xf: {  	[smem:$0x3FB5] =	sst s7  }
0x10: {  	[smem:$0x3FB6] =	sst s8  }
0x11: {  	[smem:$0x3FB7] =	sst s9;
	s0 =	simm.s32 @!p0 $0x0  }
0x12: {  	s1 =	sld [smem:$0x3F9D];
	s0 =	simm.s32 @p0 $0x1  }
0x13: {  	[smem:$0x3FB8] =	sst s0;
	s0 =	simm.s32 @!p1 $0x0  }
0x14: {  	s2 =	sld [smem:$0x3F9C];
	s0 =	simm.s32 @p1 $0x1  }
0x15: {  	[smem:$0x3FB9] =	sst s0;
	s0 =	simm.s32 @!p2 $0x0  }
0x16: {  	s3 =	sld [smem:$0x3FDB];
	s0 =	simm.s32 @p2 $0x1  }
0x17: {  	s4 =	simm.s32 $0x1BF5;
	[smem:$0x3FBB] =	sst s0  }
0x18: {  	s0 =	sld [smem:$0x3F9E];
	_ =	swait.ge [sflag:s4], $0x0  }
0x19: {  	s7 =	sld [smem:$0x3F9F]  }
0x1a: {  	s8 =	sadd.s32 $0xFFFFE003, lr  }
0x1b: {  	s9 =	sadd.s32 $0xFFFFFEF7, lr;
	s5 =	simm.s32 $0xFFFFFFFF;
	p2 =	slt.u32 s8, $0xFFFFF086  }
0x1c: {  	p1 =	slt.u32 s9, $0xF7A;
	s5 =	simm.s32 @!p2 $0x0  }
0x1d: {  	s5 =	simm.s32 @p1 $0x1;
	p0 =	seq.s32 s7, s2  }
0x1e: {  	s7 =	smul.u32 @!p0 $0xF7A, s2;
	p2 =	seq.s32 @!p0 s5, $0x0  }
0x1f: {  	s9 =	smul.u32 $0xF7A, s1;
	s8 =	simm.s32 @!p0 $0x1BF5;
	p2 =	por !p2, p0  }
0x20: {  	[sflag:s8] =	ssyncset.s32 @!p0 $0xFFFFF086;
	s6 =	sadd.s32 @!p0 s3, s7;
	s7 =	simm.s32 @!p0 $0x108  }
0x21: {  	s3 =	sadd.s32 s3, s9;
	s6 =	sadd.s32 @!p0 $0x88, s6;
	s7 =	simm.s32 @p2 $0x1082  }
0x22: {  	[simem:s7], [sflag:s8] =	dma.local @!p0 [hbm:s6], $0xF7A  }
0x23: {  	s9 =	sor.u32 $0xD0000000, s2;
	s6 =	simm.s32 $0x108;
	_ =	swait.ge @!p0 [sflag:s8], $0x0  }
0x24: {  	s3 =	sadd.s32 $0x88, s3;
	s6 =	simm.s32 @!p1 $0x1082;
	[sflag:s4] =	ssyncset.s32 $0xFFFFF086  }
0x25: {  	[simem:s6], [sflag:s4] =	dma.local [hbm:s3], $0xF7A  }
0x26: {  	[smem:$0x3F9F] =	sst s1;
	(tag) =	ssettag s2;
	_ =	strace s9  }
0x27: {  	s1 =	sld [smem:$0x3FAF]  }
0x28: {  	s2 =	sld [smem:$0x3FB0]  }
0x29: {  	s4 =	sld [smem:$0x3FB2]  }
0x2a: {  	p0 =	seq.s32 s5, $0x0;
	s5 =	sld [smem:$0x3FB3]  }
0x2b: {  	s6 =	sld [smem:$0x3FB4]  }
0x2c: {  	s7 =	sld [smem:$0x3FB5]  }
0x2d: {  	s3 =	simm.s32 $0x108;
	s8 =	sld [smem:$0x3FB6]  }
0x2e: {  	s3 =	simm.s32 @!p0 $0x1082;
	s9 =	sld [smem:$0x3FB7]  }
0x2f: {  	lr =	sadd.s32 s0, s3;
	s0 =	sld [smem:$0x3FAE]  }
0x30: {  	s3 =	sld [smem:$0x3FB1]  }
0x31: {  	[smem:$0x3FBA] =	sst s10  }
0x32: {  	s10 =	sld [smem:$0x3FB8];
	_ =	sdelay $0x3  }
0x33: {  	p0 =	seq.s32 s10, $0x1;
	s10 =	sld [smem:$0x3FBA];
	_ =	sdelay $0x3  }
0x34: {  	[smem:$0x3FBA] =	sst s10  }
0x35: {  	s10 =	sld [smem:$0x3FB9];
	_ =	sdelay $0x3  }
0x36: {  	p1 =	seq.s32 s10, $0x1;
	s10 =	sld [smem:$0x3FBA];
	_ =	sdelay $0x3  }
0x37: {  	[smem:$0x3FBA] =	sst s10  }
0x38: {  	s10 =	sld [smem:$0x3FBB]  }
0x39: {  	_ = 	snop;
	(pc) =	sbr.ind lr, $3  }
0x3a: {  	_ = 	snop  }
0x3b: {  	_ = 	snop  }
0x3c: {  	p2 =	seq.s32 s10, $0x1;
	s10 =	sld [smem:$0x3FBA]  }
0x3d: {  	_ =	shalt  }
0x3e: {  	_ =	shalt  }
0x3f: {  	_ =	shalt  }
0x40: {  	_ =	shalt  }
0x41: {  	_ =	shalt  }
0x42: {  	_ =	shalt  }
0x43: {  	_ =	shalt  }
0x44: {  	_ =	shalt  }
0x45: {  	_ =	shalt  }
0x46: {  	_ =	shalt  }
0x47: {  	_ =	shalt  }
0x48: {  	_ =	shalt  }
0x49: {  	_ =	shalt  }
0x4a: {  	_ =	shalt  }
0x4b: {  	_ =	shalt  }
0x4c: {  	_ =	shalt  }
0x4d: {  	_ =	shalt  }
0x4e: {  	_ =	shalt  }
0x4f: {  	_ =	shalt  }
0x50: {  	_ =	shalt  }
0x51: {  	_ =	shalt  }
0x52: {  	_ =	shalt  }
0x53: {  	_ =	shalt  }
0x54: {  	_ =	shalt  }
0x55: {  	_ =	shalt  }
0x56: {  	_ =	shalt  }
0x57: {  	_ =	shalt  }
0x58: {  	_ =	shalt  }
0x59: {  	_ =	shalt  }
0x5a: {  	_ =	shalt  }
0x5b: {  	_ =	shalt  }
0x5c: {  	_ =	shalt  }
0x5d: {  	_ =	shalt  }
0x5e: {  	_ =	shalt  }
0x5f: {  	_ =	shalt  }
0x60: {  	_ =	shalt  }
0x61: {  	_ =	shalt  }
0x62: {  	_ =	shalt  }
0x63: {  	_ =	shalt  }
0x64: {  	_ =	shalt  }
0x65: {  	_ =	shalt  }
0x66: {  	_ =	shalt  }
0x67: {  	_ =	shalt  }
0x68: {  	_ =	shalt  }
0x69: {  	_ =	shalt  }
0x6a: {  	_ =	shalt  }
0x6b: {  	_ =	shalt  }
0x6c: {  	_ =	shalt  }
0x6d: {  	_ =	shalt  }
0x6e: {  	_ =	shalt  }
0x6f: {  	_ =	shalt  }
0x70: {  	_ =	shalt  }
0x71: {  	_ =	shalt  }
0x72: {  	_ =	shalt  }
0x73: {  	_ =	shalt  }
0x74: {  	_ =	shalt  }
0x75: {  	_ =	shalt  }
0x76: {  	_ =	shalt  }
0x77: {  	_ =	shalt  }
0x78: {  	_ =	shalt  }
0x79: {  	_ =	shalt  }
0x7a: {  	_ =	shalt  }
0x7b: {  	_ =	shalt  }
0x7c: {  	_ =	shalt  }
0x7d: {  	_ =	shalt  }
0x7e: {  	_ =	shalt  }
0x7f: {  	_ =	shalt  }
0x80: {  	_ =	shalt  }
0x81: {  	_ =	shalt  }
0x82: {  	_ =	shalt  }
0x83: {  	_ =	shalt  }
0x84: {  	_ =	shalt  }
0x85: {  	_ =	shalt  }
0x86: {  	_ =	shalt  }
0x87: {  	_ =	shalt  }
.Lfunc_end0:
.L_simem_size_0:
called_computation_lowered:
.L_overlay_start_0:
0x88: {  	s2 =	sld [smem:$0x3FD9]  }
0x89: {  	s3 =	sld [smem:$0x3FFE];
	_ =	sdelay $0x1  }
0x8a: {  	s1 =	srdreg.scid  }
0x8b: {  	s0 =	sand.u32 $0x1, s1  }
0x8c: {  	s17 =	sshll.u32 s0, $0xA;
	s2 =	sadd.s32 s3, s2  }
0x8d: {  	s2 =	sadd.s32 s2, s17  }
0x8e: {  	[smem:$0x3FC6] =	sst s2  }
0x8f: {  	_ = 	snop  }
0x90: {  	s2 =	sld [smem:$0x3FC8]  }
0x91: {  	s18 =	sld [smem:$0x3FD0];
	(tm) =	ssettm $0x1  }
0x92: {  	s4 =	sld [smem:$0x3FFB];
	_ =	sdelay $0x3  }
0x93: {  	_ =	strace s4  }
0x94: {  	s4 =	sld [smem:$0x3FFC];
	_ =	sdelay $0x3  }
0x95: {  	_ =	strace s4  }
0x96: {  	s4 =	sld [smem:$0x3FFD];
	_ =	sdelay $0x3  }
0x97: {  	_ =	strace s4  }
0x98: {  	_ =	strace $0x8FFFFFFF  }
0x99: {  	s19 =	sld [smem:$0x3FDB];
	_ =	sdelay $0x1  }
0x9a: {  	s5 =	simm.s32 $_scs_section_size  }
0x9b: {  	s6 =	simm.s32 $_size__tile_overlayer_lowered;
	s7 =	simm.s32 $_tile_overlayer_lowered  }
0x9c: {  	s22 =	simm.s32 $0x1BFF;
	s21 =	sshll.u32 s7, $0x1;
	s4 =	sadd.s32 s5, s19  }
0x9d: {  	s8 =	simm.s32 $0x0;
	s20 =	sshll.u32 s6, $0x1;
	s6 =	sadd.s32 s21, s4  }
0x9e: {  	[timem:s8], [sflag:s22] =	dma.local [hbm:s6], s20  }
0x9f: {  	_ =	swait.ge [sflag:s22], s20  }
0xa0: {  	s5 =	ssub.s32 $0x0, s20;
	[sflag:s22] =	ssyncset.done $0x0  }
0xa1: {  	[sflag:s22] =	ssyncadd.s32 s5;
	_ =	sdelay $0x1  }
0xa2: {  	s23 =	simm.s32 $0x1B8B  }
0xa3: {  	_ =	swait.ge [sflag:s23], $0x1  }
0xa4: {  	[sflag:s23] =	ssyncset.done $0x0  }
0xa5: {  	s25 =	simm.s32 $0x1B8E;
	s24 =	sld [smem:$0x3FFE];
	[sflag:s23] =	ssyncadd.s32 $0xFFFFFFFF  }
0xa6: {  	s26 =	simm.s32 $execute0_lowered;
	[smem:$0x3FD2] =	sst s25  }
0xa7: {  	s6 =	sshll.u32 s26, $0x1;
	_ =	strace $0x80000046;
	[dreg:$0x1] =	wrdreg $0xFFFFFFFF  }
0xa8: {  	s28 =	simm.s32 $_size_execute0_lowered;
	s4 =	sadd.s32 s4, s6;
	[dreg:$0x0] =	wrdreg $0x0  }
0xa9: {  	s6 =	sshll.u32 s28, $0x1;
	[dreg:$0x2] =	wrdreg s4  }
0xaa: {  	[dreg:$0x3] =	wrdreg s6  }
0xab: {  	[dreg:$0x4] =	wrdreg $0xC0  }
0xac: {  	_ =	task [dreg:s8], $0x5FFFF  }
0xad: {  	[dreg:$0x1] =	wrdreg $0xFFFFFFFF  }
0xae: {  	[dreg:$0x0] =	wrdreg $0x60  }
0xaf: {  	[dreg:$0x2] =	wrdreg s24  }
0xb0: {  	[dreg:$0x3] =	wrdreg s2  }
0xb1: {  	[dreg:$0x4] =	wrdreg s18  }
0xb2: {  	[dreg:$0x5] =	wrdreg $0x64000  }
0xb3: {  	[dreg:$0x6] =	wrdreg $0x9  }
0xb4: {  	_ =	task.clear_ibuf [dreg:s8], $0x7FFFF;
	_ =	strace $0x90000046  }
0xb5: {  	s29 =	simm.s32 $0x9;
	_ =	strace $0x80000048  }
0xb6: {  	_ =	swait.ge [sflag:s29], $0x1  }
0xb7: {  	[sflag:s29] =	ssyncadd.s32 $0xFFFFFFFF  }
0xb8: {  	_ =	strace $0x90000048  }
0xb9: {  	_ =	sfence  }
0xba: {  	s30 =	sld [smem:$0x0];
	_ =	sdelay $0x2  }
0xbb: {  	s31 =	sshll.u32 s1, $0xD;
	s1 =	sshrl.u32 s1, $0x2  }
0xbc: {  	s3 =	sand.u32 $0x4000, s31;
	s1 =	sadd.s32 s1, s30  }
0xbd: {  	s0 =	sor.u32 s3, s0;
	s1 =	sshll.u32 s1, $0x11  }
0xbe: {  	s0 =	sor.u32 s1, s0  }
0xbf: {  	s0 =	sadd.s32 $0x8F2B, s0  }
0xc0: {  	[sflag:s0] =	ssyncadd.remote.s32 $0x1  }
0xc1: {  	_ =	sfence.sel $0xFFFF  }
0xc2: {  	[dreg:$0x0] =	wrdreg $0xFFFFFFFF;
	(pc) =	sbr.abs _section_cstart, $3  }
0xc3: {  	[dreg:$0x1] =	wrdreg $0xFFFFFFFF  }
0xc4: {  	_ =	task.clear_ibuf [dreg:s8], $0x2FFFF;
	_ =	strace $0x9FFFFFFF  }
0xc5: {  	(tm) =	ssettm $0x7FFFFFFF  }
tec
execute0_lowered:
.L_overlay_start_1:
0x0: {  	(tag) =	ssettag $0x1  }
0x1: {  	s0 =	rddreg [dreg:$0x0]  }
0x2: {  	s1 =	rddreg [dreg:$0x1]  }
0x3: {  	s2 =	rddreg [dreg:$0x2]  }
0x4: {  	s3 =	srdreg.scid;
	s11 =	stileid.u32  }
0x5: {  	s4 =	rddreg [dreg:$0x3];
	s16 =	simm.s32 $0x80;
	s17 =	simm.s32 $0xE400  }
0x6: {  	s28 =	simm.s32 $0x2;
	s29 =	simm.s32 $0x6;
	s31 =	simm.s32 $0x3  }
0x7: {  	s30 =	simm.s32 $0x0;
	s5 =	sand.u32 $0x1, s3;
	s6 =	sshll.u32 s11, $0x1  }
0x8: {  	s3 =	simm.s32 $0x0;
	s9 =	smul.u32 $0x190, s11;
	s19 =	sshll.u32 s11, $0xF  }
0x9: {  	s26 =	sshll.u32 s11, $0x6;
	s6 =	sor.u32 s5, s6;
	s10 =	smul.u32 $0xC8, s5  }
0xa: {  	[smem:$0x7FF] =	sst s3;
	s8 =	ssub.s32 $0x2, s5;
	s7 =	smul.u32 $0xC80, s6  }
0xb: {  	s5 =	sadd.s32 s19, s4;
	s19 =	simm.s32 $0x4;
	s6 =	smul.u32 $0x64000, s6  }
0xc: {  	_ =	strace $0x80000047;
	s18 =	sshrl.u32 s8, $0x1;
	[dreg:$0xd] =	wrdreg s26  }
0xd: {  	s8 =	ssub.s32 s8, s18;
	s20 =	sadd.s32 s10, s9;
	s21 =	sadd.s32 s2, s6  }
0xe: {  	s0 =	sadd.s32 s7, s0;
	s24 =	smax.u32 s8, $0x1;
	[dreg:$0x6] =	wrdreg s21  }
0xf: {  	s18 =	simm.s32 $0x12400;
	s0 =	sadd.s32 $0x400, s0;
	[dreg:$0xa] =	wrdreg s24  }
0x10: {  	s7 =	sadd.s32 $0x4000, s5;
	s6 =	sadd.s32 $0x800, s21;
	[dreg:$0x5] =	wrdreg s0  }
0x11: {  	s22 =	sadd.s32 $0x1000, s21;
	s23 =	sadd.s32 $0x1800, s21;
	[dreg:$0x7] =	wrdreg s6  }
0x12: {  	s24 =	simm.s32 $0x5;
	s0 =	sshll.u32 s20, $0xB;
	[dreg:$0x8] =	wrdreg s22  }
0x13: {  	s21 =	simm.s32 $0x8;
	[dreg:$0x9] =	wrdreg s23;
	s0 =	sadd.s32 s0, s2  }
0x14: {  	s20 =	simm.s32 $0x16400;
	s22 =	simm.s32 $0x1A400;
	s25 =	sadd.s32 $0x3000, s0  }
0x15: {  	s15 =	sadd.s32 $0x3800, s0;
	s0 =	sadd.s32 $0x2000, s0;
	[dreg:$0xb] =	wrdreg s25  }
0x16: {  	s23 =	simm.s32 $0x1;
	s2 =	simm.s32 $0x7;
	[dreg:$0xc] =	wrdreg s0  }
.LBB2_1:
0x17: {  	s0 =	rddreg [dreg:$0x5];
	s9 =	simm.s32 $0x9  }
0x18: {  	[tilespmem:s3], [sflag:$0x9] =	stream.linear.gather [hbm4b:s0+s3], $0x6400, $0x38;
	[tilespmem:$0x1E400] =	vst v63  }
0x19: {  	_ =	swait.ge [sflag:s9], $0x6400  }
0x1a: {  	[sflag:s9] =	ssyncset.done $0x0  }
0x1b: {  	[sflag:s9] =	ssyncadd.s32 $0xFFFF9C00  }
0x1c: {  	[tilespmem:s17], [sflag:$0x1] =	stream.indirect.gather [hbm4b:s1+s16], $0x80, s3, s16, $0xb8;
	[tilespmem:$0x1E400] =	vst v63  }
0x1d: {  	_ = 	snop  }
0x1e: {  	[tilespmem:s18], [sflag:$0x2] =	stream.indirect.gather [hbm4b:s1+s16], $0x80, s16, s16, $0xb8;
	[tilespmem:$0x1E400] =	vst v63  }
0x1f: {  	s10 =	simm.s32 $0x100  }
0x20: {  	[tilespmem:s20], [sflag:$0x3] =	stream.indirect.gather [hbm4b:s1+s16], $0x80, s10, s16, $0xb8;
	[tilespmem:$0x1E400] =	vst v63  }
0x21: {  	s11 =	simm.s32 $0x180  }
0x22: {  	[tilespmem:s22], [sflag:$0x4] =	stream.indirect.gather [hbm4b:s1+s16], $0x80, s11, s16, $0xb8;
	[tilespmem:$0x1E400] =	vst v63  }
0x23: {  	_ =	swait.ge [sflag:s23], $0x4000  }
0x24: {  	[sflag:s23] =	ssyncset.done $0x0  }
0x25: {  	[sflag:s23] =	ssyncadd.s32 $0xFFFFC000  }
0x26: {  	[spmem:s5] =	stream.linear.scatter [tilespmem:s17], [sflag:$0x5], $0x4000, $0x38;
	[tilespmem:$0x1E400] =	vst v63  }
0x27: {  	s26 =	sshrl.u32 s5, $0x3;
	_ =	swait.ge [sflag:s24], $0x4000  }
0x28: {  	s12 =	simm.s32 $0x200;
	[sflag:s24] =	ssyncset.done $0x0;
	s6 =	rddreg [dreg:$0xd]  }
0x29: {  	s4 =	rddreg [dreg:$0x6];
	[sflag:s24] =	ssyncadd.s32 $0xFFFFC000;
	s0 =	sor.u32 $0x1C07, s6  }
0x2a: {  	[hbm:s4], [sflag:s0] =	dma.local [spmem:s26], $0x800  }
0x2b: {  	[tilespmem:s17], [sflag:$0x1] =	stream.indirect.gather [hbm4b:s1+s16], $0x80, s12, s16, $0xb8;
	[tilespmem:$0x1E400] =	vst v63  }
0x2c: {  	_ =	swait.ge [sflag:s28], $0x4000  }
0x2d: {  	[sflag:s28] =	ssyncset.done $0x0  }
0x2e: {  	[sflag:s28] =	ssyncadd.s32 $0xFFFFC000  }
0x2f: {  	[spmem:s7] =	stream.linear.scatter [tilespmem:s18], [sflag:$0x6], $0x4000, $0x38;
	[tilespmem:$0x1E400] =	vst v63  }
0x30: {  	_ =	swait.ge [sflag:s29], $0x4000  }
0x31: {  	s8 =	sshrl.u32 s7, $0x3;
	s14 =	simm.s32 $0x280;
	[sflag:s29] =	ssyncset.done $0x0  }
0x32: {  	s4 =	sor.u32 $0x1C08, s6;
	s13 =	rddreg [dreg:$0x7];
	[sflag:s29] =	ssyncadd.s32 $0xFFFFC000  }
0x33: {  	[hbm:s13], [sflag:s4] =	dma.local [spmem:s8], $0x800  }
0x34: {  	[tilespmem:s18], [sflag:$0x2] =	stream.indirect.gather [hbm4b:s1+s16], $0x80, s14, s16, $0xb8;
	[tilespmem:$0x1E400] =	vst v63  }
0x35: {  	_ =	swait.ge [sflag:s31], $0x4000  }
0x36: {  	[sflag:s31] =	ssyncset.done $0x0  }
0x37: {  	[sflag:s31] =	ssyncadd.s32 $0xFFFFC000  }
0x38: {  	_ =	swait.ge [sflag:s2], $0x800  }
0x39: {  	[sflag:s2] =	ssyncset.done $0x0  }
0x3a: {  	[sflag:s2] =	ssyncadd.s32 $0xFFFFF800  }
0x3b: {  	[spmem:s5] =	stream.linear.scatter [tilespmem:s20], [sflag:$0x5], $0x4000, $0x38;
	[tilespmem:$0x1E400] =	vst v63  }
0x3c: {  	_ =	swait.ge [sflag:s24], $0x4000  }
0x3d: {  	[sflag:s24] =	ssyncset.done $0x0  }
0x3e: {  	s9 =	simm.s32 $0x300;
	s25 =	rddreg [dreg:$0x8];
	[sflag:s24] =	ssyncadd.s32 $0xFFFFC000  }
0x3f: {  	[hbm:s25], [sflag:s0] =	dma.local [spmem:s26], $0x800  }
0x40: {  	[tilespmem:s20], [sflag:$0x3] =	stream.indirect.gather [hbm4b:s1+s16], $0x80, s9, s16, $0xb8;
	[tilespmem:$0x1E400] =	vst v63  }
0x41: {  	_ =	swait.ge [sflag:s19], $0x4000  }
0x42: {  	[sflag:s19] =	ssyncset.done $0x0  }
0x43: {  	[sflag:s19] =	ssyncadd.s32 $0xFFFFC000  }
0x44: {  	_ =	swait.ge [sflag:s21], $0x800  }
0x45: {  	[sflag:s21] =	ssyncset.done $0x0  }
0x46: {  	[sflag:s21] =	ssyncadd.s32 $0xFFFFF800  }
0x47: {  	[spmem:s7] =	stream.linear.scatter [tilespmem:s22], [sflag:$0x6], $0x4000, $0x38;
	[tilespmem:$0x1E400] =	vst v63  }
0x48: {  	_ =	swait.ge [sflag:s29], $0x4000  }
0x49: {  	[sflag:s29] =	ssyncset.done $0x0  }
0x4a: {  	s11 =	simm.s32 $0x380;
	s10 =	rddreg [dreg:$0x9];
	[sflag:s29] =	ssyncadd.s32 $0xFFFFC000  }
0x4b: {  	[hbm:s10], [sflag:s4] =	dma.local [spmem:s8], $0x800  }
0x4c: {  	[tilespmem:s22], [sflag:$0x4] =	stream.indirect.gather [hbm4b:s1+s16], $0x80, s11, s16, $0xb8;
	[tilespmem:$0x1E400] =	vst v63  }
0x4d: {  	_ =	swait.ge [sflag:s23], $0x4000  }
0x4e: {  	[sflag:s23] =	ssyncset.done $0x0  }
0x4f: {  	[sflag:s23] =	ssyncadd.s32 $0xFFFFC000  }
0x50: {  	_ =	swait.ge [sflag:s2], $0x800  }
0x51: {  	[sflag:s2] =	ssyncset.done $0x0  }
0x52: {  	[sflag:s2] =	ssyncadd.s32 $0xFFFFF800  }
0x53: {  	[spmem:s5] =	stream.linear.scatter [tilespmem:s17], [sflag:$0x5], $0x4000, $0x38;
	[tilespmem:$0x1E400] =	vst v63  }
0x54: {  	s12 =	smin.u32 s3, $0xBF;
	_ =	swait.ge [sflag:s24], $0x4000  }
0x55: {  	s6 =	sshll.u32 s12, $0x7;
	[sflag:s24] =	ssyncset.done $0x0  }
0x56: {  	s6 =	sadd.s32 $0x400, s6;
	s10 =	rddreg [dreg:$0xc];
	[sflag:s24] =	ssyncadd.s32 $0xFFFFC000  }
0x57: {  	[hbm:s10], [sflag:s0] =	dma.local [spmem:s26], $0x800  }
0x58: {  	[tilespmem:s17], [sflag:$0x1] =	stream.indirect.gather [hbm4b:s1+s16], $0x80, s6, s16, $0xb8;
	[tilespmem:$0x1E400] =	vst v63  }
0x59: {  	_ =	swait.ge [sflag:s28], $0x4000  }
0x5a: {  	[sflag:s28] =	ssyncset.done $0x0  }
0x5b: {  	[sflag:s28] =	ssyncadd.s32 $0xFFFFC000  }
0x5c: {  	_ =	swait.ge [sflag:s21], $0x800  }
0x5d: {  	[sflag:s21] =	ssyncset.done $0x0  }
0x5e: {  	[sflag:s21] =	ssyncadd.s32 $0xFFFFF800  }
0x5f: {  	[spmem:s7] =	stream.linear.scatter [tilespmem:s18], [sflag:$0x6], $0x4000, $0x38;
	[tilespmem:$0x1E400] =	vst v63  }
0x60: {  	s13 =	smin.u32 s3, $0xBE;
	_ =	swait.ge [sflag:s29], $0x4000  }
0x61: {  	s6 =	sshll.u32 s13, $0x7;
	[sflag:s29] =	ssyncset.done $0x0  }
0x62: {  	s9 =	sadd.s32 $0xFFFFF000, s15;
	s6 =	sadd.s32 $0x480, s6;
	[sflag:s29] =	ssyncadd.s32 $0xFFFFC000  }
0x63: {  	[hbm:s9], [sflag:s4] =	dma.local [spmem:s8], $0x800  }
0x64: {  	[tilespmem:s18], [sflag:$0x2] =	stream.indirect.gather [hbm4b:s1+s16], $0x80, s6, s16, $0xb8;
	[tilespmem:$0x1E400] =	vst v63  }
0x65: {  	_ =	swait.ge [sflag:s31], $0x4000  }
0x66: {  	[sflag:s31] =	ssyncset.done $0x0  }
0x67: {  	[sflag:s31] =	ssyncadd.s32 $0xFFFFC000  }
0x68: {  	_ =	swait.ge [sflag:s2], $0x800  }
0x69: {  	[sflag:s2] =	ssyncset.done $0x0  }
0x6a: {  	[sflag:s2] =	ssyncadd.s32 $0xFFFFF800  }
0x6b: {  	[spmem:s5] =	stream.linear.scatter [tilespmem:s20], [sflag:$0x5], $0x4000, $0x38;
	[tilespmem:$0x1E400] =	vst v63  }
0x6c: {  	s14 =	smin.u32 s3, $0xBD;
	_ =	swait.ge [sflag:s24], $0x4000  }
0x6d: {  	s6 =	sshll.u32 s14, $0x7;
	[sflag:s24] =	ssyncset.done $0x0  }
0x6e: {  	s6 =	sadd.s32 $0x500, s6;
	s11 =	rddreg [dreg:$0xb];
	[sflag:s24] =	ssyncadd.s32 $0xFFFFC000  }
0x6f: {  	[hbm:s11], [sflag:s0] =	dma.local [spmem:s26], $0x800  }
0x70: {  	[tilespmem:s20], [sflag:$0x3] =	stream.indirect.gather [hbm4b:s1+s16], $0x80, s6, s16, $0xb8;
	[tilespmem:$0x1E400] =	vst v63  }
0x71: {  	_ =	swait.ge [sflag:s19], $0x4000  }
0x72: {  	[sflag:s19] =	ssyncset.done $0x0  }
0x73: {  	[sflag:s19] =	ssyncadd.s32 $0xFFFFC000  }
0x74: {  	_ =	swait.ge [sflag:s21], $0x800  }
0x75: {  	[sflag:s21] =	ssyncset.done $0x0  }
0x76: {  	s12 =	smov.u32 s15;
	s25 =	smin.u32 s3, $0xBC;
	[sflag:s21] =	ssyncadd.s32 $0xFFFFF800  }
0x77: {  	[spmem:s7] =	stream.linear.scatter [tilespmem:s22], [sflag:$0x6], $0x4000, $0x38;
	[tilespmem:$0x1E400] =	vst v63  }
0x78: {  	s10 =	sadd.s32 $0x2000, s10;
	s9 =	simm.s32 $0x4;
	_ =	swait.ge [sflag:s29], $0x4000  }
0x79: {  	s11 =	sadd.s32 $0x2000, s11;
	s6 =	sshll.u32 s25, $0x7;
	[sflag:s29] =	ssyncset.done $0x0  }
0x7a: {  	s14 =	sadd.s32 $0x580, s6;
	s6 =	sadd.s32 $0x2000, s15;
	[sflag:s29] =	ssyncadd.s32 $0xFFFFC000  }
.LBB2_2:
0x7b: {  	[hbm:s12], [sflag:s4] =	dma.local [spmem:s8], $0x800  }
0x7c: {  	s13 =	smov.u32 s9;
	s12 =	smov.u32 s6  }
0x7d: {  	[tilespmem:s22], [sflag:$0x4] =	stream.indirect.gather [hbm4b:s1+s16], $0x80, s14, s16, $0xb8;
	[tilespmem:$0x1E400] =	vst v63  }
0x7e: {  	p0 =	sne.s32 s9, $0xC0;
	s9 =	sadd.s32 $0x4, s9;
	_ =	swait.ge [sflag:s23], $0x4000  }
0x7f: {  	[sflag:s23] =	ssyncset.done $0x0  }
0x80: {  	[sflag:s23] =	ssyncadd.s32 $0xFFFFC000  }
0x81: {  	_ =	swait.ge [sflag:s2], $0x800  }
0x82: {  	[sflag:s2] =	ssyncset.done $0x0  }
0x83: {  	[sflag:s2] =	ssyncadd.s32 $0xFFFFF800  }
0x84: {  	[spmem:s5] =	stream.linear.scatter [tilespmem:s17], [sflag:$0x5], $0x4000, $0x38;
	[tilespmem:$0x1E400] =	vst v63  }
0x85: {  	_ =	swait.ge [sflag:s24], $0x4000  }
0x86: {  	s14 =	smin.u32 s13, $0xBF;
	[sflag:s24] =	ssyncset.done $0x0  }
0x87: {  	s14 =	sshll.u32 s14, $0x7;
	[sflag:s24] =	ssyncadd.s32 $0xFFFFC000  }
0x88: {  	[hbm:s10], [sflag:s0] =	dma.local [spmem:s26], $0x800  }
0x89: {  	s14 =	sadd.s32 $0x400, s14  }
0x8a: {  	[tilespmem:s17], [sflag:$0x1] =	stream.indirect.gather [hbm4b:s1+s16], $0x80, s14, s16, $0xb8;
	[tilespmem:$0x1E400] =	vst v63  }
0x8b: {  	_ =	swait.ge [sflag:s28], $0x4000  }
0x8c: {  	[sflag:s28] =	ssyncset.done $0x0  }
0x8d: {  	[sflag:s28] =	ssyncadd.s32 $0xFFFFC000  }
0x8e: {  	_ =	swait.ge [sflag:s21], $0x800  }
0x8f: {  	[sflag:s21] =	ssyncset.done $0x0  }
0x90: {  	[sflag:s21] =	ssyncadd.s32 $0xFFFFF800  }
0x91: {  	[spmem:s7] =	stream.linear.scatter [tilespmem:s18], [sflag:$0x6], $0x4000, $0x38;
	[tilespmem:$0x1E400] =	vst v63  }
0x92: {  	s14 =	smin.u32 s13, $0xBE;
	_ =	swait.ge [sflag:s29], $0x4000  }
0x93: {  	s25 =	sadd.s32 $0xFFFFF000, s6;
	s14 =	sshll.u32 s14, $0x7;
	[sflag:s29] =	ssyncset.done $0x0  }
0x94: {  	s14 =	sadd.s32 $0x480, s14;
	[sflag:s29] =	ssyncadd.s32 $0xFFFFC000  }
0x95: {  	[hbm:s25], [sflag:s4] =	dma.local [spmem:s8], $0x800  }
0x96: {  	[tilespmem:s18], [sflag:$0x2] =	stream.indirect.gather [hbm4b:s1+s16], $0x80, s14, s16, $0xb8;
	[tilespmem:$0x1E400] =	vst v63  }
0x97: {  	_ =	swait.ge [sflag:s31], $0x4000  }
0x98: {  	[sflag:s31] =	ssyncset.done $0x0  }
0x99: {  	[sflag:s31] =	ssyncadd.s32 $0xFFFFC000  }
0x9a: {  	_ =	swait.ge [sflag:s2], $0x800  }
0x9b: {  	[sflag:s2] =	ssyncset.done $0x0  }
0x9c: {  	[sflag:s2] =	ssyncadd.s32 $0xFFFFF800  }
0x9d: {  	[spmem:s5] =	stream.linear.scatter [tilespmem:s20], [sflag:$0x5], $0x4000, $0x38;
	[tilespmem:$0x1E400] =	vst v63  }
0x9e: {  	s14 =	smin.u32 s13, $0xBD;
	_ =	swait.ge [sflag:s24], $0x4000  }
0x9f: {  	s14 =	sshll.u32 s14, $0x7;
	[sflag:s24] =	ssyncset.done $0x0  }
0xa0: {  	s14 =	sadd.s32 $0x500, s14;
	[sflag:s24] =	ssyncadd.s32 $0xFFFFC000  }
0xa1: {  	[hbm:s11], [sflag:s0] =	dma.local [spmem:s26], $0x800  }
0xa2: {  	[tilespmem:s20], [sflag:$0x3] =	stream.indirect.gather [hbm4b:s1+s16], $0x80, s14, s16, $0xb8;
	[tilespmem:$0x1E400] =	vst v63  }
0xa3: {  	_ =	swait.ge [sflag:s19], $0x4000  }
0xa4: {  	[sflag:s19] =	ssyncset.done $0x0  }
0xa5: {  	[sflag:s19] =	ssyncadd.s32 $0xFFFFC000  }
0xa6: {  	_ =	swait.ge [sflag:s21], $0x800  }
0xa7: {  	[sflag:s21] =	ssyncset.done $0x0  }
.Ltmp0:
0xa8: {  	[sflag:s21] =	ssyncadd.s32 $0xFFFFF800;
	(pc) =	sbr.rel @p0 .LBB2_2-.Ltmp0, $4  }
0xa9: {  	[spmem:s7] =	stream.linear.scatter [tilespmem:s22], [sflag:$0x6], $0x4000, $0x38;
	[tilespmem:$0x1E400] =	vst v63  }
0xaa: {  	s10 =	sadd.s32 $0x2000, s10;
	s13 =	smin.u32 s13, $0xBC;
	_ =	swait.ge [sflag:s29], $0x4000  }
0xab: {  	s13 =	sshll.u32 s13, $0x7;
	s11 =	sadd.s32 $0x2000, s11;
	[sflag:s29] =	ssyncset.done $0x0  }
0xac: {  	s6 =	sadd.s32 $0x2000, s6;
	s14 =	sadd.s32 $0x580, s13;
	[sflag:s29] =	ssyncadd.s32 $0xFFFFC000  }
0xad: {  	[hbm:s12], [sflag:s4] =	dma.local [spmem:s8], $0x800  }
0xae: {  	[tilespmem:s22], [sflag:$0x4] =	stream.indirect.gather [hbm4b:s1+s16], $0x80, s14, s16, $0xb8;
	[tilespmem:$0x1E400] =	vst v63  }
0xaf: {  	_ =	swait.ge [sflag:s23], $0x4000  }
0xb0: {  	[sflag:s23] =	ssyncset.done $0x0  }
0xb1: {  	[sflag:s23] =	ssyncadd.s32 $0xFFFFC000  }
0xb2: {  	_ =	swait.ge [sflag:s28], $0x4000  }
0xb3: {  	[sflag:s28] =	ssyncset.done $0x0  }
0xb4: {  	[sflag:s28] =	ssyncadd.s32 $0xFFFFC000  }
0xb5: {  	_ =	swait.ge [sflag:s31], $0x4000  }
0xb6: {  	[sflag:s31] =	ssyncset.done $0x0  }
0xb7: {  	[sflag:s31] =	ssyncadd.s32 $0xFFFFC000  }
0xb8: {  	_ =	swait.ge [sflag:s19], $0x4000  }
0xb9: {  	[sflag:s19] =	ssyncset.done $0x0  }
0xba: {  	[sflag:s19] =	ssyncadd.s32 $0xFFFFC000  }
0xbb: {  	_ =	swait.ge [sflag:s2], $0x800  }
0xbc: {  	[sflag:s2] =	ssyncset.done $0x0  }
0xbd: {  	[sflag:s2] =	ssyncadd.s32 $0xFFFFF800  }
0xbe: {  	_ =	swait.ge [sflag:s21], $0x800  }
0xbf: {  	s30 =	sadd.s32 $0x1, s30;
	s0 =	rddreg [dreg:$0xa]  }
0xc0: {  	p0 =	sne.s32 s30, s0  }
.Ltmp1:
0xc1: {  	_ = 	snop;
	(pc) =	sbr.rel @p0 .LBB2_1-.Ltmp1, $3  }
0xc2: {  	_ =	sdelay $0x1  }
0xc3: {  	[sflag:s21] =	ssyncset.done $0x0  }
0xc4: {  	[sflag:s21] =	ssyncadd.s32 $0xFFFFF800  }
0xc5: {  	_ =	sfence.sel $0x180000  }
0xc6: {  	[bflag:$0x0] =	sbarrier.arrive $0xFFFF  }
0xc7: {  	_ =	strace $0x90000047  }
0xc8: {  	s0 =	stileid.u32;
	[bflag:$0x2] =	sbarrier.arrive $0xFFFF  }
0xc9: {  	p0 =	sne.s32 s0, $0x0;
	s0 =	rddreg [dreg:$0x4]  }
0xca: {  	s0 =	sadd.s32 @!p0 $0x100000, s0  }
0xcb: {  	[sflag:s0] =	ssyncadd.tile.s32 @!p0 $0x1;
	_ =	shalt  }
.Lfunc_end2:
_tile_overlayer_lowered:
.L_overlay_start_2:
0xcc: {  	(tag) =	ssettag $0x2  }
0xcd: {  	s0 =	rddreg [dreg:$0x0];
	s2 =	stileid.u32  }
0xce: {  	s1 =	rddreg [dreg:$0x1];
	p0 =	sne.s32 s2, $0x0  }
0xcf: {  	s3 =	rddreg [dreg:$0x2];
	[bflag:$0x3] =	sbarrier.arrive $0xFFFF;
	s2 =	simm.s32 @!p0 $0x1C09  }
0xd0: {  	[timem:s3], [sflag:s2] =	dma.local @!p0 [hbm:s0], s1  }
0xd1: {  	s0 =	simm.s32 @!p0 $0x9  }
0xd2: {  	_ =	swait.ge @!p0 [sflag:s0], s1  }
0xd3: {  	s1 =	ssub.s32 @!p0 $0x0, s1;
	[sflag:s0] =	ssyncset.done @!p0 $0x0  }
0xd4: {  	[sflag:s0] =	ssyncadd.s32 @!p0 s1  }
0xd5: {  	[bflag:$0x3] =	sbarrier.arrive $0xFFFF  }
0xd6: {  	_ =	shalt  }

</sc_bundles>
